<compile_context>
chip_gen: v7x
topology: tpu7x:2x2x1
jax: 0.10.2.dev20260603
libtpu: 0.0.44.dev20260713+nightly
codegen_flags: <defaults>
</compile_context>

<pallas_src>
import functools

import jax
import jax.numpy as jnp
from jax import lax
from jax.experimental import pallas as pl
from jax.experimental.pallas import tpu as pltpu
from jax.experimental.pallas import tpu_sc as plsc

NC = 2
NS = 16
NW = NC * NS
BATCH = 112
NBUF = 2


def _segment_sum_sc(x, src4d, dst4d, acc_rows, nb):
    D = x.shape[1]
    stripe = acc_rows // NS
    mesh = plsc.VectorSubcoreMesh(core_axis_name="c", subcore_axis_name="s")

    @functools.partial(
        pl.kernel,
        out_type=jax.ShapeDtypeStruct((NC, acc_rows, D), jnp.float32),
        mesh=mesh,
        compiler_params=pltpu.CompilerParams(use_tc_tiling_on_sc=False),
        scratch_types=[
            pltpu.VMEM((nb, BATCH), jnp.int32),
            pltpu.VMEM((nb, BATCH), jnp.int32),
            pltpu.VMEM((NBUF, BATCH, D), jnp.float32),
            pltpu.VMEM_SHARED((acc_rows, D), jnp.float32),
            [pltpu.SemaphoreType.DMA] * NBUF,
        ],
    )
    def seg_kernel(x_hbm, src_hbm, dst_hbm, zero_hbm, out_hbm,
                   src_v, dst_v, rows_v, acc, sem_g):
        cid = lax.axis_index("c")
        sid = lax.axis_index("s")

        pltpu.sync_copy(src_hbm.at[cid, sid], src_v)
        pltpu.sync_copy(dst_hbm.at[cid, sid], dst_v)

        pltpu.sync_copy(zero_hbm, acc.at[pl.ds(sid * stripe, stripe)])
        plsc.subcore_barrier()

        def start_g(j, b):
            pltpu.async_copy(x_hbm.at[src_v.at[j]], rows_v.at[b], sem_g[b])

        def wait_g(j, b):
            pltpu.make_async_copy(
                x_hbm.at[src_v.at[j]], rows_v.at[b], sem_g[b]).wait()

        for b in range(NBUF):
            start_g(b, b)

        def step(i, _):
            for b in range(NBUF):
                j = i * NBUF + b
                wait_g(j, b)
                pltpu.sync_copy(rows_v.at[b], acc.at[dst_v.at[j]], add=True)

                @pl.when(j + NBUF < nb)
                def _():
                    start_g(j + NBUF, b)
            return 0

        lax.fori_loop(0, nb // NBUF, step, 0)
        plsc.subcore_barrier()

        pltpu.sync_copy(acc.at[pl.ds(sid * stripe, stripe)],
                        out_hbm.at[cid, pl.ds(sid * stripe, stripe)])

    zero = jnp.zeros((stripe, D), jnp.float32)
    return seg_kernel(x, src4d, dst4d, zero)


def _tc_in(feat_ref, w_ref, b_ref, o_ref):
    y = jnp.dot(feat_ref[...], w_ref[...],
                preferred_element_type=jnp.float32) + b_ref[...]
    o_ref[...] = jnp.where(y >= 0, y, 0.01 * y)


def _tc_mid(x_ref, p_ref, w_ref, b_ref, o_ref):
    h = x_ref[...] + p_ref[0] + p_ref[1]
    o_ref[...] = jnp.dot(h, w_ref[...],
                         preferred_element_type=jnp.float32) + b_ref[...]


def _tc_out(x_ref, p_ref, w_ref, b_ref, wo_ref, bo_ref, o_ref):
    h = x_ref[...] + p_ref[0] + p_ref[1]
    x2 = jnp.dot(h, w_ref[...],
                 preferred_element_type=jnp.float32) + b_ref[...]
    o_ref[...] = jnp.dot(x2, wo_ref[...],
                         preferred_element_type=jnp.float32) + bo_ref[...]


def kernel(feature, edge_index, edge_type, W_in, b_in, W1, b1, W2, b2, Wo, bo):
    del edge_type
    N, D_in = feature.shape
    D = W_in.shape[1]
    E = edge_index.shape[1]
    BM = 1000
    grid = (N // BM,)

    nb = -(-E // (NC * NS * BATCH))
    nb = -(-nb // NBUF) * NBUF
    e_pad = NC * NS * BATCH * nb - E
    acc_rows = -(-(N + 1) // (NS * 8)) * (NS * 8)
    pad_dst = N
    src = edge_index[0].astype(jnp.int32)
    dst = edge_index[1].astype(jnp.int32)
    src4d = jnp.concatenate(
        [src, jnp.zeros((e_pad,), jnp.int32)]).reshape(NC, NS, nb, BATCH)
    dst4d = jnp.concatenate(
        [dst, jnp.full((e_pad,), pad_dst, jnp.int32)]).reshape(NC, NS, nb, BATCH)

    b_in2 = b_in.reshape(1, D)
    b12 = b1.reshape(1, D)
    b22 = b2.reshape(1, D)
    Wo_p = jnp.pad(Wo, ((0, 0), (0, D - Wo.shape[1])))
    bo_p = jnp.pad(bo, (0, D - bo.shape[0])).reshape(1, D)

    row_spec = pl.BlockSpec((BM, D), lambda i: (i, 0))
    par_spec = pl.BlockSpec((NC, BM, D), lambda i: (0, i, 0))
    w_spec = pl.BlockSpec((D, D), lambda i: (0, 0))
    b_spec = pl.BlockSpec((1, D), lambda i: (0, 0))

    x0 = pl.pallas_call(
        _tc_in,
        grid=grid,
        in_specs=[pl.BlockSpec((BM, D_in), lambda i: (i, 0)), w_spec, b_spec],
        out_specs=row_spec,
        out_shape=jax.ShapeDtypeStruct((N, D), jnp.float32),
    )(feature, W_in, b_in2)

    p = _segment_sum_sc(x0, src4d, dst4d, acc_rows, nb)

    x1 = pl.pallas_call(
        _tc_mid,
        grid=grid,
        in_specs=[row_spec, par_spec, w_spec, b_spec],
        out_specs=row_spec,
        out_shape=jax.ShapeDtypeStruct((N, D), jnp.float32),
    )(x0, p, W1, b12)

    q = _segment_sum_sc(x1, src4d, dst4d, acc_rows, nb)

    out = pl.pallas_call(
        _tc_out,
        grid=grid,
        in_specs=[row_spec, par_spec, w_spec, b_spec, w_spec, b_spec],
        out_specs=row_spec,
        out_shape=jax.ShapeDtypeStruct((N, D), jnp.float32),
    )(x1, q, W2, b22, Wo_p, bo_p)

    return out[:, :Wo.shape[1]]

# --- scband reference (transcript-rebuilt; emitter-appended) ---
"""Pipeline reference for scband-gin-43533788512791 (READ-ONLY COPY).

The authoritative reference and input builder live on the scoring server;
editing this copy changes nothing except your own understanding.
"""

import jax, jax.numpy as jnp
import numpy as np

N_NODES = 10000
N_EDGES = 320000
D_IN = 128
D_HID = 128
D_OUT = 3


def _leaky_relu(x, slope=0.01):
    return jnp.where(x >= 0, x, slope * x)


def setup_inputs(seed: int = 0) -> dict:
    key = jax.random.key(seed)
    ks = jax.random.split(key, 12)
    feature = jax.random.normal(ks[0], (N_NODES, D_IN), dtype=jnp.float32)
    edge_index = jax.random.randint(ks[1], (2, N_EDGES), 0, N_NODES, dtype=jnp.int64)
    edge_type = jax.random.randint(ks[2], (N_EDGES,), 0, 2, dtype=jnp.int64)
    s_in = 1.0 / np.sqrt(D_IN)
    s_hid = 1.0 / np.sqrt(D_HID)
    W_in = jax.random.uniform(ks[3], (D_IN, D_HID), jnp.float32, -s_in, s_in)
    b_in = jax.random.uniform(ks[4], (D_HID,), jnp.float32, -s_in, s_in)
    W1 = jax.random.uniform(ks[5], (D_HID, D_HID), jnp.float32, -s_hid, s_hid)
    b1 = jax.random.uniform(ks[6], (D_HID,), jnp.float32, -s_hid, s_hid)
    W2 = jax.random.uniform(ks[7], (D_HID, D_HID), jnp.float32, -s_hid, s_hid)
    b2 = jax.random.uniform(ks[8], (D_HID,), jnp.float32, -s_hid, s_hid)
    Wo = jax.random.uniform(ks[9], (D_HID, D_OUT), jnp.float32, -s_hid, s_hid)
    bo = jax.random.uniform(ks[10], (D_OUT,), jnp.float32, -s_hid, s_hid)
    return {"feature": feature, "edge_index": edge_index, "edge_type": edge_type,
            "W_in": W_in, "b_in": b_in, "W1": W1, "b1": b1,
            "W2": W2, "b2": b2, "Wo": Wo, "bo": bo}


def reference(feature, edge_index, edge_type, W_in, b_in, W1, b1, W2, b2, Wo, bo):
    # linear_relu_input: Linear + LeakyReLU
    x = _leaky_relu(feature.astype(jnp.float32) @ W_in + b_in)
    src = edge_index[0]
    dst = edge_index[1]
    # GINConv 1: nn((1+eps)*x + sum_{j in N(i)} x_j), eps=1e-9
    agg1 = jax.ops.segment_sum(x[src], dst, num_segments=N_NODES)
    x = ((1.0 + 1e-09) * x + agg1) @ W1 + b1
    # dropout is identity in eval mode
    # GINConv 2, eps=1e-13
    agg2 = jax.ops.segment_sum(x[src], dst, num_segments=N_NODES)
    x = ((1.0 + 1e-13) * x + agg2) @ W2 + b2
    # final output linear (linear_relu_output1 is unused in original forward)
    out = x @ Wo + bo
    return out

if __name__ == "__main__":
    import jax
    _d = setup_inputs()
    print(jax.jit(kernel)(*tuple(_d.values())))

</pallas_src>

<mosaic_0001>
#map = affine_map<(d0, d1) -> (0, 0)>
#map1 = affine_map<(d0, d1) -> (0, 0, 0, 0)>
#map2 = affine_map<(d0, d1) -> (0, 0, 0)>
module attributes {stable_mosaic.version = 14 : i64} {
  func.func @seg_kernel(%arg0: i32, %arg1: i32, %arg2: memref<10000x128xf32, #tpu.memory_space<hbm>>, %arg3: memref<2x16x90x112xi32, #tpu.memory_space<hbm>>, %arg4: memref<2x16x90x112xi32, #tpu.memory_space<hbm>>, %arg5: memref<632x128xf32, #tpu.memory_space<hbm>>, %arg6: memref<2x10112x128xf32, #tpu.memory_space<hbm>>, %arg7: memref<90x112xi32, #tpu.memory_space<vmem>>, %arg8: memref<90x112xi32, #tpu.memory_space<vmem>>, %arg9: memref<2x112x128xf32, #tpu.memory_space<vmem>>, %arg10: memref<10112x128xf32, #tpu.memory_space<vmem_shared>>, %arg11: memref<!tpu.dma_semaphore, #tpu.memory_space<semaphore_mem>>, %arg12: memref<!tpu.dma_semaphore, #tpu.memory_space<semaphore_mem>>) attributes {dimension_semantics = [#tpu.dimension_semantics<core_parallel>, #tpu.dimension_semantics<subcore_parallel>], iteration_bounds = array<i64: 2, 16>, scalar_prefetch = 0 : i64, scratch_operands = 6 : i64, tpu.core_type = #tpu.core_type<sc_vector_subcore>, window_params = [{transform_indices = #map}, {transform_indices = #map1}, {transform_indices = #map1}, {transform_indices = #map}, {transform_indices = #map2}]} {
    "tpu.region"() ({
      %run_scoped3A = tpu.sem_alloc : memref<!tpu.dma_semaphore, #tpu.memory_space<semaphore_mem>>
      %dma_start3A_35 = arith.constant 0 : i32
      %dma_start3A_36 = arith.constant 0 : i32
      %dma_start3A_37 = tpu.memref_slice %arg3[%arg0, %arg1, %dma_start3A_35, %dma_start3A_36] : memref<2x16x90x112xi32, #tpu.memory_space<hbm>> -> memref<1x1x90x112xi32, #tpu.memory_space<hbm>>
      %dma_start3A_38 = tpu.memref_squeeze %dma_start3A_37 : memref<1x1x90x112xi32, #tpu.memory_space<hbm>> -> memref<90x112xi32, #tpu.memory_space<hbm>>
      %dma_start3A_39 = arith.constant 0 : i32
      %dma_start3A_40 = arith.constant 0 : i32
      %dma_start3A_41 = tpu.memref_slice %arg3[%arg0, %arg1, %dma_start3A_39, %dma_start3A_40] : memref<2x16x90x112xi32, #tpu.memory_space<hbm>> -> memref<1x1x90x112xi32, #tpu.memory_space<hbm>>
      %dma_start3A_42 = tpu.memref_squeeze %dma_start3A_41 : memref<1x1x90x112xi32, #tpu.memory_space<hbm>> -> memref<90x112xi32, #tpu.memory_space<hbm>>
      tpu.enqueue_dma source(%dma_start3A_42 : memref<90x112xi32, #tpu.memory_space<hbm>>) target(%arg7 : memref<90x112xi32, #tpu.memory_space<vmem>>) target_semaphore(%run_scoped3A : memref<!tpu.dma_semaphore, #tpu.memory_space<semaphore_mem>>)
      %dma_wait3A = arith.constant 0 : i32
      %dma_wait3A_43 = arith.constant 0 : i32
      %dma_wait3A_44 = tpu.memref_slice %arg3[%arg0, %arg1, %dma_wait3A, %dma_wait3A_43] : memref<2x16x90x112xi32, #tpu.memory_space<hbm>> -> memref<1x1x90x112xi32, #tpu.memory_space<hbm>>
      %dma_wait3A_45 = tpu.memref_squeeze %dma_wait3A_44 : memref<1x1x90x112xi32, #tpu.memory_space<hbm>> -> memref<90x112xi32, #tpu.memory_space<hbm>>
      %dma_wait3A_46 = arith.constant 0 : i32
      %dma_wait3A_47 = arith.constant 0 : i32
      %dma_wait3A_48 = tpu.memref_slice %arg3[%arg0, %arg1, %dma_wait3A_46, %dma_wait3A_47] : memref<2x16x90x112xi32, #tpu.memory_space<hbm>> -> memref<1x1x90x112xi32, #tpu.memory_space<hbm>>
      %dma_wait3A_49 = tpu.memref_squeeze %dma_wait3A_48 : memref<1x1x90x112xi32, #tpu.memory_space<hbm>> -> memref<90x112xi32, #tpu.memory_space<hbm>>
      tpu.wait_dma2 semaphore(%run_scoped3A : memref<!tpu.dma_semaphore, #tpu.memory_space<semaphore_mem>>) src(%dma_wait3A_49 : memref<90x112xi32, #tpu.memory_space<hbm>>) dst(%arg7 : memref<90x112xi32, #tpu.memory_space<vmem>>)
      tpu.yield
    }) : () -> ()
    "tpu.region"() ({
      %run_scoped3A = tpu.sem_alloc : memref<!tpu.dma_semaphore, #tpu.memory_space<semaphore_mem>>
      %dma_start3A_35 = arith.constant 0 : i32
      %dma_start3A_36 = arith.constant 0 : i32
      %dma_start3A_37 = tpu.memref_slice %arg4[%arg0, %arg1, %dma_start3A_35, %dma_start3A_36] : memref<2x16x90x112xi32, #tpu.memory_space<hbm>> -> memref<1x1x90x112xi32, #tpu.memory_space<hbm>>
      %dma_start3A_38 = tpu.memref_squeeze %dma_start3A_37 : memref<1x1x90x112xi32, #tpu.memory_space<hbm>> -> memref<90x112xi32, #tpu.memory_space<hbm>>
      %dma_start3A_39 = arith.constant 0 : i32
      %dma_start3A_40 = arith.constant 0 : i32
      %dma_start3A_41 = tpu.memref_slice %arg4[%arg0, %arg1, %dma_start3A_39, %dma_start3A_40] : memref<2x16x90x112xi32, #tpu.memory_space<hbm>> -> memref<1x1x90x112xi32, #tpu.memory_space<hbm>>
      %dma_start3A_42 = tpu.memref_squeeze %dma_start3A_41 : memref<1x1x90x112xi32, #tpu.memory_space<hbm>> -> memref<90x112xi32, #tpu.memory_space<hbm>>
      tpu.enqueue_dma source(%dma_start3A_42 : memref<90x112xi32, #tpu.memory_space<hbm>>) target(%arg8 : memref<90x112xi32, #tpu.memory_space<vmem>>) target_semaphore(%run_scoped3A : memref<!tpu.dma_semaphore, #tpu.memory_space<semaphore_mem>>)
      %dma_wait3A = arith.constant 0 : i32
      %dma_wait3A_43 = arith.constant 0 : i32
      %dma_wait3A_44 = tpu.memref_slice %arg4[%arg0, %arg1, %dma_wait3A, %dma_wait3A_43] : memref<2x16x90x112xi32, #tpu.memory_space<hbm>> -> memref<1x1x90x112xi32, #tpu.memory_space<hbm>>
      %dma_wait3A_45 = tpu.memref_squeeze %dma_wait3A_44 : memref<1x1x90x112xi32, #tpu.memory_space<hbm>> -> memref<90x112xi32, #tpu.memory_space<hbm>>
      %dma_wait3A_46 = arith.constant 0 : i32
      %dma_wait3A_47 = arith.constant 0 : i32
      %dma_wait3A_48 = tpu.memref_slice %arg4[%arg0, %arg1, %dma_wait3A_46, %dma_wait3A_47] : memref<2x16x90x112xi32, #tpu.memory_space<hbm>> -> memref<1x1x90x112xi32, #tpu.memory_space<hbm>>
      %dma_wait3A_49 = tpu.memref_squeeze %dma_wait3A_48 : memref<1x1x90x112xi32, #tpu.memory_space<hbm>> -> memref<90x112xi32, #tpu.memory_space<hbm>>
      tpu.wait_dma2 semaphore(%run_scoped3A : memref<!tpu.dma_semaphore, #tpu.memory_space<semaphore_mem>>) src(%dma_wait3A_49 : memref<90x112xi32, #tpu.memory_space<hbm>>) dst(%arg8 : memref<90x112xi32, #tpu.memory_space<vmem>>)
      tpu.yield
    }) : () -> ()
    %mul3A = arith.constant 632 : i32
    %mul3A_0 = arith.muli %arg1, %mul3A : i32
    "tpu.region"() ({
      %run_scoped3A = tpu.sem_alloc : memref<!tpu.dma_semaphore, #tpu.memory_space<semaphore_mem>>
      %dma_start3A_35 = arith.constant 0 : i32
      %dma_start3A_36 = tpu.memref_slice %arg10[%mul3A_0, %dma_start3A_35] : memref<10112x128xf32, #tpu.memory_space<vmem_shared>> -> memref<632x128xf32, #tpu.memory_space<vmem_shared>>
      tpu.enqueue_dma source(%arg5 : memref<632x128xf32, #tpu.memory_space<hbm>>) target(%dma_start3A_36 : memref<632x128xf32, #tpu.memory_space<vmem_shared>>) target_semaphore(%run_scoped3A : memref<!tpu.dma_semaphore, #tpu.memory_space<semaphore_mem>>)
      %dma_wait3A = arith.constant 0 : i32
      %dma_wait3A_37 = tpu.memref_slice %arg10[%mul3A_0, %dma_wait3A] : memref<10112x128xf32, #tpu.memory_space<vmem_shared>> -> memref<632x128xf32, #tpu.memory_space<vmem_shared>>
      tpu.wait_dma2 semaphore(%run_scoped3A : memref<!tpu.dma_semaphore, #tpu.memory_space<semaphore_mem>>) src(%arg5 : memref<632x128xf32, #tpu.memory_space<hbm>>) dst(%dma_wait3A_37 : memref<632x128xf32, #tpu.memory_space<vmem_shared>>)
      tpu.yield
    }) : () -> ()
    %barrier3A = arith.constant 0 : index
    tpu.barrier barrier_id(%barrier3A)
    %dma_start3A = arith.constant 0 : i32
    %dma_start3A_1 = arith.constant 0 : i32
    %dma_start3A_2 = arith.constant 0 : i32
    %dma_start3A_3 = arith.constant 0 : i32
    %dma_start3A_4 = tpu.memref_slice %arg9[%dma_start3A_1, %dma_start3A_2, %dma_start3A_3] : memref<2x112x128xf32, #tpu.memory_space<vmem>> -> memref<1x112x128xf32, #tpu.memory_space<vmem>>
    %dma_start3A_5 = tpu.memref_squeeze %dma_start3A_4 : memref<1x112x128xf32, #tpu.memory_space<vmem>> -> memref<112x128xf32, #tpu.memory_space<vmem>>
    %dma_start3A_6 = arith.constant 0 : i32
    %dma_start3A_7 = tpu.memref_slice %arg7[%dma_start3A, %dma_start3A_6] : memref<90x112xi32, #tpu.memory_space<vmem>> -> memref<1x112xi32, #tpu.memory_space<vmem>>
    %dma_start3A_8 = tpu.memref_squeeze %dma_start3A_7 : memref<1x112xi32, #tpu.memory_space<vmem>> -> memref<112xi32, #tpu.memory_space<vmem>>
    %dma_start3A_9 = arith.constant 0 : i32
    %dma_start3A_10 = arith.constant 0 : i32
    %dma_start3A_11 = tpu.memref_slice %arg2[%dma_start3A_9, %dma_start3A_10] : memref<10000x128xf32, #tpu.memory_space<hbm>> -> memref<10000x128xf32, #tpu.memory_space<hbm>>
    tpu.enqueue_indirect_dma source(%dma_start3A_11 : memref<10000x128xf32, #tpu.memory_space<hbm>>) target(%dma_start3A_5 : memref<112x128xf32, #tpu.memory_space<vmem>>) offsets(%dma_start3A_8 : memref<112xi32, #tpu.memory_space<vmem>>) semaphore(%arg11 : memref<!tpu.dma_semaphore, #tpu.memory_space<semaphore_mem>>)
    %dma_start3A_12 = arith.constant 1 : i32
    %dma_start3A_13 = arith.constant 1 : i32
    %dma_start3A_14 = arith.constant 0 : i32
    %dma_start3A_15 = arith.constant 0 : i32
    %dma_start3A_16 = tpu.memref_slice %arg9[%dma_start3A_13, %dma_start3A_14, %dma_start3A_15] : memref<2x112x128xf32, #tpu.memory_space<vmem>> -> memref<1x112x128xf32, #tpu.memory_space<vmem>>
    %dma_start3A_17 = tpu.memref_squeeze %dma_start3A_16 : memref<1x112x128xf32, #tpu.memory_space<vmem>> -> memref<112x128xf32, #tpu.memory_space<vmem>>
    %dma_start3A_18 = arith.constant 0 : i32
    %dma_start3A_19 = tpu.memref_slice %arg7[%dma_start3A_12, %dma_start3A_18] : memref<90x112xi32, #tpu.memory_space<vmem>> -> memref<1x112xi32, #tpu.memory_space<vmem>>
    %dma_start3A_20 = tpu.memref_squeeze %dma_start3A_19 : memref<1x112xi32, #tpu.memory_space<vmem>> -> memref<112xi32, #tpu.memory_space<vmem>>
    %dma_start3A_21 = arith.constant 0 : i32
    %dma_start3A_22 = arith.constant 0 : i32
    %dma_start3A_23 = tpu.memref_slice %arg2[%dma_start3A_21, %dma_start3A_22] : memref<10000x128xf32, #tpu.memory_space<hbm>> -> memref<10000x128xf32, #tpu.memory_space<hbm>>
    tpu.enqueue_indirect_dma source(%dma_start3A_23 : memref<10000x128xf32, #tpu.memory_space<hbm>>) target(%dma_start3A_17 : memref<112x128xf32, #tpu.memory_space<vmem>>) offsets(%dma_start3A_20 : memref<112xi32, #tpu.memory_space<vmem>>) semaphore(%arg12 : memref<!tpu.dma_semaphore, #tpu.memory_space<semaphore_mem>>)
    %scan3A = arith.constant 0 : i32
    %scan3A_24 = arith.constant 0 : i32
    %scan3A_25 = arith.constant 45 : i32
    %scan3A_26 = arith.addi %scan3A_24, %scan3A_25 : i32
    %scan3A_27 = arith.constant 1 : i32
    %scan3A_28 = scf.for %scan3A_35 = %scan3A_24 to %scan3A_26 step %scan3A_27 iter_args(%scan3A_36 = %scan3A) -> (i32)  : i32 {
      %mul3A_37 = arith.constant 2 : i32
      %mul3A_38 = arith.muli %scan3A_35, %mul3A_37 : i32
      %add3A = arith.constant 0 : i32
      %add3A_39 = arith.addi %mul3A_38, %add3A : i32
      %dma_wait3A = arith.constant 0 : i32
      %dma_wait3A_40 = arith.constant 0 : i32
      %dma_wait3A_41 = arith.constant 0 : i32
      %dma_wait3A_42 = tpu.memref_slice %arg9[%dma_wait3A, %dma_wait3A_40, %dma_wait3A_41] : memref<2x112x128xf32, #tpu.memory_space<vmem>> -> memref<1x112x128xf32, #tpu.memory_space<vmem>>
      %dma_wait3A_43 = tpu.memref_squeeze %dma_wait3A_42 : memref<1x112x128xf32, #tpu.memory_space<vmem>> -> memref<112x128xf32, #tpu.memory_space<vmem>>
      %dma_wait3A_44 = arith.constant 0 : i32
      %dma_wait3A_45 = tpu.memref_slice %arg7[%add3A_39, %dma_wait3A_44] : memref<90x112xi32, #tpu.memory_space<vmem>> -> memref<1x112xi32, #tpu.memory_space<vmem>>
      %dma_wait3A_46 = tpu.memref_squeeze %dma_wait3A_45 : memref<1x112xi32, #tpu.memory_space<vmem>> -> memref<112xi32, #tpu.memory_space<vmem>>
      %dma_wait3A_47 = arith.constant 0 : i32
      %dma_wait3A_48 = arith.constant 0 : i32
      %dma_wait3A_49 = tpu.memref_slice %arg2[%dma_wait3A_47, %dma_wait3A_48] : memref<10000x128xf32, #tpu.memory_space<hbm>> -> memref<10000x128xf32, #tpu.memory_space<hbm>>
      tpu.wait_indirect_dma semaphore(%arg11 : memref<!tpu.dma_semaphore, #tpu.memory_space<semaphore_mem>>) src(%dma_wait3A_49 : memref<10000x128xf32, #tpu.memory_space<hbm>>) dst(%dma_wait3A_43 : memref<112x128xf32, #tpu.memory_space<vmem>>)
      %run_scoped3A = arith.constant 0 : i32
      "tpu.region"() ({
        %run_scoped3A_78 = tpu.sem_alloc : memref<!tpu.dma_semaphore, #tpu.memory_space<semaphore_mem>>
        %dma_start3A_79 = arith.constant 0 : i32
        %dma_start3A_80 = arith.constant 0 : i32
        %dma_start3A_81 = tpu.memref_slice %arg9[%run_scoped3A, %dma_start3A_79, %dma_start3A_80] : memref<2x112x128xf32, #tpu.memory_space<vmem>> -> memref<1x112x128xf32, #tpu.memory_space<vmem>>
        %dma_start3A_82 = tpu.memref_squeeze %dma_start3A_81 : memref<1x112x128xf32, #tpu.memory_space<vmem>> -> memref<112x128xf32, #tpu.memory_space<vmem>>
        %dma_start3A_83 = arith.constant 0 : i32
        %dma_start3A_84 = tpu.memref_slice %arg8[%add3A_39, %dma_start3A_83] : memref<90x112xi32, #tpu.memory_space<vmem>> -> memref<1x112xi32, #tpu.memory_space<vmem>>
        %dma_start3A_85 = tpu.memref_squeeze %dma_start3A_84 : memref<1x112xi32, #tpu.memory_space<vmem>> -> memref<112xi32, #tpu.memory_space<vmem>>
        %dma_start3A_86 = arith.constant 0 : i32
        %dma_start3A_87 = arith.constant 0 : i32
        %dma_start3A_88 = tpu.memref_slice %arg10[%dma_start3A_86, %dma_start3A_87] : memref<10112x128xf32, #tpu.memory_space<vmem_shared>> -> memref<10112x128xf32, #tpu.memory_space<vmem_shared>>
        tpu.enqueue_indirect_dma source(%dma_start3A_82 : memref<112x128xf32, #tpu.memory_space<vmem>>) target(%dma_start3A_88 : memref<10112x128xf32, #tpu.memory_space<vmem_shared>>) offsets(%dma_start3A_85 : memref<112xi32, #tpu.memory_space<vmem>>) semaphore(%run_scoped3A_78 : memref<!tpu.dma_semaphore, #tpu.memory_space<semaphore_mem>>) {add = true}
        %dma_wait3A_89 = arith.constant 0 : i32
        %dma_wait3A_90 = arith.constant 0 : i32
        %dma_wait3A_91 = tpu.memref_slice %arg9[%run_scoped3A, %dma_wait3A_89, %dma_wait3A_90] : memref<2x112x128xf32, #tpu.memory_space<vmem>> -> memref<1x112x128xf32, #tpu.memory_space<vmem>>
        %dma_wait3A_92 = tpu.memref_squeeze %dma_wait3A_91 : memref<1x112x128xf32, #tpu.memory_space<vmem>> -> memref<112x128xf32, #tpu.memory_space<vmem>>
        %dma_wait3A_93 = arith.constant 0 : i32
        %dma_wait3A_94 = tpu.memref_slice %arg8[%add3A_39, %dma_wait3A_93] : memref<90x112xi32, #tpu.memory_space<vmem>> -> memref<1x112xi32, #tpu.memory_space<vmem>>
        %dma_wait3A_95 = tpu.memref_squeeze %dma_wait3A_94 : memref<1x112xi32, #tpu.memory_space<vmem>> -> memref<112xi32, #tpu.memory_space<vmem>>
        %dma_wait3A_96 = arith.constant 0 : i32
        %dma_wait3A_97 = arith.constant 0 : i32
        %dma_wait3A_98 = tpu.memref_slice %arg10[%dma_wait3A_96, %dma_wait3A_97] : memref<10112x128xf32, #tpu.memory_space<vmem_shared>> -> memref<10112x128xf32, #tpu.memory_space<vmem_shared>>
        tpu.wait_indirect_dma semaphore(%run_scoped3A_78 : memref<!tpu.dma_semaphore, #tpu.memory_space<semaphore_mem>>) src(%dma_wait3A_92 : memref<112x128xf32, #tpu.memory_space<vmem>>) dst(%dma_wait3A_98 : memref<10112x128xf32, #tpu.memory_space<vmem_shared>>)
        tpu.yield
      }) : () -> ()
      %add3A_50 = arith.constant 2 : i32
      %add3A_51 = arith.addi %add3A_39, %add3A_50 : i32
      %lt3A = arith.constant 90 : i32
      %lt3A_52 = arith.cmpi slt, %add3A_51, %lt3A : i32
      %convert_element_type3A = arith.extui %lt3A_52 : i1 to i32
      %cond3A = arith.constant 0 : i32
      %cond3A_53 = arith.cmpi ne, %convert_element_type3A, %cond3A : i32
      scf.if %cond3A_53 {
        %add3A_78 = arith.constant 2 : i32
        %add3A_79 = arith.addi %add3A_39, %add3A_78 : i32
        %dma_start3A_80 = arith.constant 0 : i32
        %dma_start3A_81 = arith.constant 0 : i32
        %dma_start3A_82 = arith.constant 0 : i32
        %dma_start3A_83 = tpu.memref_slice %arg9[%dma_start3A_80, %dma_start3A_81, %dma_start3A_82] : memref<2x112x128xf32, #tpu.memory_space<vmem>> -> memref<1x112x128xf32, #tpu.memory_space<vmem>>
        %dma_start3A_84 = tpu.memref_squeeze %dma_start3A_83 : memref<1x112x128xf32, #tpu.memory_space<vmem>> -> memref<112x128xf32, #tpu.memory_space<vmem>>
        %dma_start3A_85 = arith.constant 0 : i32
        %dma_start3A_86 = tpu.memref_slice %arg7[%add3A_79, %dma_start3A_85] : memref<90x112xi32, #tpu.memory_space<vmem>> -> memref<1x112xi32, #tpu.memory_space<vmem>>
        %dma_start3A_87 = tpu.memref_squeeze %dma_start3A_86 : memref<1x112xi32, #tpu.memory_space<vmem>> -> memref<112xi32, #tpu.memory_space<vmem>>
        %dma_start3A_88 = arith.constant 0 : i32
        %dma_start3A_89 = arith.constant 0 : i32
        %dma_start3A_90 = tpu.memref_slice %arg2[%dma_start3A_88, %dma_start3A_89] : memref<10000x128xf32, #tpu.memory_space<hbm>> -> memref<10000x128xf32, #tpu.memory_space<hbm>>
        tpu.enqueue_indirect_dma source(%dma_start3A_90 : memref<10000x128xf32, #tpu.memory_space<hbm>>) target(%dma_start3A_84 : memref<112x128xf32, #tpu.memory_space<vmem>>) offsets(%dma_start3A_87 : memref<112xi32, #tpu.memory_space<vmem>>) semaphore(%arg11 : memref<!tpu.dma_semaphore, #tpu.memory_space<semaphore_mem>>)
      } else {
      }
      %mul3A_54 = arith.constant 2 : i32
      %mul3A_55 = arith.muli %scan3A_35, %mul3A_54 : i32
      %add3A_56 = arith.constant 1 : i32
      %add3A_57 = arith.addi %mul3A_55, %add3A_56 : i32
      %dma_wait3A_58 = arith.constant 1 : i32
      %dma_wait3A_59 = arith.constant 0 : i32
      %dma_wait3A_60 = arith.constant 0 : i32
      %dma_wait3A_61 = tpu.memref_slice %arg9[%dma_wait3A_58, %dma_wait3A_59, %dma_wait3A_60] : memref<2x112x128xf32, #tpu.memory_space<vmem>> -> memref<1x112x128xf32, #tpu.memory_space<vmem>>
      %dma_wait3A_62 = tpu.memref_squeeze %dma_wait3A_61 : memref<1x112x128xf32, #tpu.memory_space<vmem>> -> memref<112x128xf32, #tpu.memory_space<vmem>>
      %dma_wait3A_63 = arith.constant 0 : i32
      %dma_wait3A_64 = tpu.memref_slice %arg7[%add3A_57, %dma_wait3A_63] : memref<90x112xi32, #tpu.memory_space<vmem>> -> memref<1x112xi32, #tpu.memory_space<vmem>>
      %dma_wait3A_65 = tpu.memref_squeeze %dma_wait3A_64 : memref<1x112xi32, #tpu.memory_space<vmem>> -> memref<112xi32, #tpu.memory_space<vmem>>
      %dma_wait3A_66 = arith.constant 0 : i32
      %dma_wait3A_67 = arith.constant 0 : i32
      %dma_wait3A_68 = tpu.memref_slice %arg2[%dma_wait3A_66, %dma_wait3A_67] : memref<10000x128xf32, #tpu.memory_space<hbm>> -> memref<10000x128xf32, #tpu.memory_space<hbm>>
      tpu.wait_indirect_dma semaphore(%arg12 : memref<!tpu.dma_semaphore, #tpu.memory_space<semaphore_mem>>) src(%dma_wait3A_68 : memref<10000x128xf32, #tpu.memory_space<hbm>>) dst(%dma_wait3A_62 : memref<112x128xf32, #tpu.memory_space<vmem>>)
      %run_scoped3A_69 = arith.constant 1 : i32
      "tpu.region"() ({
        %run_scoped3A_78 = tpu.sem_alloc : memref<!tpu.dma_semaphore, #tpu.memory_space<semaphore_mem>>
        %dma_start3A_79 = arith.constant 0 : i32
        %dma_start3A_80 = arith.constant 0 : i32
        %dma_start3A_81 = tpu.memref_slice %arg9[%run_scoped3A_69, %dma_start3A_79, %dma_start3A_80] : memref<2x112x128xf32, #tpu.memory_space<vmem>> -> memref<1x112x128xf32, #tpu.memory_space<vmem>>
        %dma_start3A_82 = tpu.memref_squeeze %dma_start3A_81 : memref<1x112x128xf32, #tpu.memory_space<vmem>> -> memref<112x128xf32, #tpu.memory_space<vmem>>
        %dma_start3A_83 = arith.constant 0 : i32
        %dma_start3A_84 = tpu.memref_slice %arg8[%add3A_57, %dma_start3A_83] : memref<90x112xi32, #tpu.memory_space<vmem>> -> memref<1x112xi32, #tpu.memory_space<vmem>>
        %dma_start3A_85 = tpu.memref_squeeze %dma_start3A_84 : memref<1x112xi32, #tpu.memory_space<vmem>> -> memref<112xi32, #tpu.memory_space<vmem>>
        %dma_start3A_86 = arith.constant 0 : i32
        %dma_start3A_87 = arith.constant 0 : i32
        %dma_start3A_88 = tpu.memref_slice %arg10[%dma_start3A_86, %dma_start3A_87] : memref<10112x128xf32, #tpu.memory_space<vmem_shared>> -> memref<10112x128xf32, #tpu.memory_space<vmem_shared>>
        tpu.enqueue_indirect_dma source(%dma_start3A_82 : memref<112x128xf32, #tpu.memory_space<vmem>>) target(%dma_start3A_88 : memref<10112x128xf32, #tpu.memory_space<vmem_shared>>) offsets(%dma_start3A_85 : memref<112xi32, #tpu.memory_space<vmem>>) semaphore(%run_scoped3A_78 : memref<!tpu.dma_semaphore, #tpu.memory_space<semaphore_mem>>) {add = true}
        %dma_wait3A_89 = arith.constant 0 : i32
        %dma_wait3A_90 = arith.constant 0 : i32
        %dma_wait3A_91 = tpu.memref_slice %arg9[%run_scoped3A_69, %dma_wait3A_89, %dma_wait3A_90] : memref<2x112x128xf32, #tpu.memory_space<vmem>> -> memref<1x112x128xf32, #tpu.memory_space<vmem>>
        %dma_wait3A_92 = tpu.memref_squeeze %dma_wait3A_91 : memref<1x112x128xf32, #tpu.memory_space<vmem>> -> memref<112x128xf32, #tpu.memory_space<vmem>>
        %dma_wait3A_93 = arith.constant 0 : i32
        %dma_wait3A_94 = tpu.memref_slice %arg8[%add3A_57, %dma_wait3A_93] : memref<90x112xi32, #tpu.memory_space<vmem>> -> memref<1x112xi32, #tpu.memory_space<vmem>>
        %dma_wait3A_95 = tpu.memref_squeeze %dma_wait3A_94 : memref<1x112xi32, #tpu.memory_space<vmem>> -> memref<112xi32, #tpu.memory_space<vmem>>
        %dma_wait3A_96 = arith.constant 0 : i32
        %dma_wait3A_97 = arith.constant 0 : i32
        %dma_wait3A_98 = tpu.memref_slice %arg10[%dma_wait3A_96, %dma_wait3A_97] : memref<10112x128xf32, #tpu.memory_space<vmem_shared>> -> memref<10112x128xf32, #tpu.memory_space<vmem_shared>>
        tpu.wait_indirect_dma semaphore(%run_scoped3A_78 : memref<!tpu.dma_semaphore, #tpu.memory_space<semaphore_mem>>) src(%dma_wait3A_92 : memref<112x128xf32, #tpu.memory_space<vmem>>) dst(%dma_wait3A_98 : memref<10112x128xf32, #tpu.memory_space<vmem_shared>>)
        tpu.yield
      }) : () -> ()
      %add3A_70 = arith.constant 2 : i32
      %add3A_71 = arith.addi %add3A_57, %add3A_70 : i32
      %lt3A_72 = arith.constant 90 : i32
      %lt3A_73 = arith.cmpi slt, %add3A_71, %lt3A_72 : i32
      %convert_element_type3A_74 = arith.extui %lt3A_73 : i1 to i32
      %cond3A_75 = arith.constant 0 : i32
      %cond3A_76 = arith.cmpi ne, %convert_element_type3A_74, %cond3A_75 : i32
      scf.if %cond3A_76 {
        %add3A_78 = arith.constant 2 : i32
        %add3A_79 = arith.addi %add3A_57, %add3A_78 : i32
        %dma_start3A_80 = arith.constant 1 : i32
        %dma_start3A_81 = arith.constant 0 : i32
        %dma_start3A_82 = arith.constant 0 : i32
        %dma_start3A_83 = tpu.memref_slice %arg9[%dma_start3A_80, %dma_start3A_81, %dma_start3A_82] : memref<2x112x128xf32, #tpu.memory_space<vmem>> -> memref<1x112x128xf32, #tpu.memory_space<vmem>>
        %dma_start3A_84 = tpu.memref_squeeze %dma_start3A_83 : memref<1x112x128xf32, #tpu.memory_space<vmem>> -> memref<112x128xf32, #tpu.memory_space<vmem>>
        %dma_start3A_85 = arith.constant 0 : i32
        %dma_start3A_86 = tpu.memref_slice %arg7[%add3A_79, %dma_start3A_85] : memref<90x112xi32, #tpu.memory_space<vmem>> -> memref<1x112xi32, #tpu.memory_space<vmem>>
        %dma_start3A_87 = tpu.memref_squeeze %dma_start3A_86 : memref<1x112xi32, #tpu.memory_space<vmem>> -> memref<112xi32, #tpu.memory_space<vmem>>
        %dma_start3A_88 = arith.constant 0 : i32
        %dma_start3A_89 = arith.constant 0 : i32
        %dma_start3A_90 = tpu.memref_slice %arg2[%dma_start3A_88, %dma_start3A_89] : memref<10000x128xf32, #tpu.memory_space<hbm>> -> memref<10000x128xf32, #tpu.memory_space<hbm>>
        tpu.enqueue_indirect_dma source(%dma_start3A_90 : memref<10000x128xf32, #tpu.memory_space<hbm>>) target(%dma_start3A_84 : memref<112x128xf32, #tpu.memory_space<vmem>>) offsets(%dma_start3A_87 : memref<112xi32, #tpu.memory_space<vmem>>) semaphore(%arg12 : memref<!tpu.dma_semaphore, #tpu.memory_space<semaphore_mem>>)
      } else {
      }
      %scan3A_77 = arith.constant 0 : i32
      scf.yield %scan3A_77 : i32
    }
    %scan3A_29 = arith.constant 45 : i32
    %barrier3A_30 = arith.constant 0 : index
    tpu.barrier barrier_id(%barrier3A_30)
    %mul3A_31 = arith.constant 632 : i32
    %mul3A_32 = arith.muli %arg1, %mul3A_31 : i32
    %mul3A_33 = arith.constant 632 : i32
    %mul3A_34 = arith.muli %arg1, %mul3A_33 : i32
    "tpu.region"() ({
      %run_scoped3A = tpu.sem_alloc : memref<!tpu.dma_semaphore, #tpu.memory_space<semaphore_mem>>
      %dma_start3A_35 = arith.constant 0 : i32
      %dma_start3A_36 = tpu.memref_slice %arg6[%arg0, %mul3A_34, %dma_start3A_35] : memref<2x10112x128xf32, #tpu.memory_space<hbm>> -> memref<1x632x128xf32, #tpu.memory_space<hbm>>
      %dma_start3A_37 = tpu.memref_squeeze %dma_start3A_36 : memref<1x632x128xf32, #tpu.memory_space<hbm>> -> memref<632x128xf32, #tpu.memory_space<hbm>>
      %dma_start3A_38 = arith.constant 0 : i32
      %dma_start3A_39 = tpu.memref_slice %arg10[%mul3A_32, %dma_start3A_38] : memref<10112x128xf32, #tpu.memory_space<vmem_shared>> -> memref<632x128xf32, #tpu.memory_space<vmem_shared>>
      tpu.enqueue_dma source(%dma_start3A_39 : memref<632x128xf32, #tpu.memory_space<vmem_shared>>) target(%dma_start3A_37 : memref<632x128xf32, #tpu.memory_space<hbm>>) target_semaphore(%run_scoped3A : memref<!tpu.dma_semaphore, #tpu.memory_space<semaphore_mem>>)
      %dma_wait3A = arith.constant 0 : i32
      %dma_wait3A_40 = tpu.memref_slice %arg6[%arg0, %mul3A_34, %dma_wait3A] : memref<2x10112x128xf32, #tpu.memory_space<hbm>> -> memref<1x632x128xf32, #tpu.memory_space<hbm>>
      %dma_wait3A_41 = tpu.memref_squeeze %dma_wait3A_40 : memref<1x632x128xf32, #tpu.memory_space<hbm>> -> memref<632x128xf32, #tpu.memory_space<hbm>>
      %dma_wait3A_42 = arith.constant 0 : i32
      %dma_wait3A_43 = tpu.memref_slice %arg10[%mul3A_32, %dma_wait3A_42] : memref<10112x128xf32, #tpu.memory_space<vmem_shared>> -> memref<632x128xf32, #tpu.memory_space<vmem_shared>>
      tpu.wait_dma2 semaphore(%run_scoped3A : memref<!tpu.dma_semaphore, #tpu.memory_space<semaphore_mem>>) src(%dma_wait3A_43 : memref<632x128xf32, #tpu.memory_space<vmem_shared>>) dst(%dma_wait3A_41 : memref<632x128xf32, #tpu.memory_space<hbm>>)
      tpu.yield
    }) : () -> ()
    return
  }
}

#map = affine_map<(d0, d1) -> (0, 0)>
#map1 = affine_map<(d0, d1) -> (0, 0, 0, 0)>
#map2 = affine_map<(d0, d1) -> (0, 0, 0)>
module attributes {stable_mosaic.version = 14 : i64} {
  func.func @seg_kernel(%arg0: i32, %arg1: i32, %arg2: memref<10000x128xf32, #tpu.memory_space<hbm>>, %arg3: memref<2x16x90x112xi32, #tpu.memory_space<hbm>>, %arg4: memref<2x16x90x112xi32, #tpu.memory_space<hbm>>, %arg5: memref<632x128xf32, #tpu.memory_space<hbm>>, %arg6: memref<2x10112x128xf32, #tpu.memory_space<hbm>>, %arg7: memref<90x112xi32, #tpu.memory_space<vmem>>, %arg8: memref<90x112xi32, #tpu.memory_space<vmem>>, %arg9: memref<2x112x128xf32, #tpu.memory_space<vmem>>, %arg10: memref<10112x128xf32, #tpu.memory_space<vmem_shared>>, %arg11: memref<!tpu.dma_semaphore, #tpu.memory_space<semaphore_mem>>, %arg12: memref<!tpu.dma_semaphore, #tpu.memory_space<semaphore_mem>>) attributes {dimension_semantics = [#tpu.dimension_semantics<core_parallel>, #tpu.dimension_semantics<subcore_parallel>], iteration_bounds = array<i64: 2, 16>, scalar_prefetch = 0 : i64, scratch_operands = 6 : i64, tpu.core_type = #tpu.core_type<sc_vector_subcore>, window_params = [{transform_indices = #map}, {transform_indices = #map1}, {transform_indices = #map1}, {transform_indices = #map}, {transform_indices = #map2}]} {
    "tpu.region"() ({
      %run_scoped3A = tpu.sem_alloc : memref<!tpu.dma_semaphore, #tpu.memory_space<semaphore_mem>>
      %dma_start3A_35 = arith.constant 0 : i32
      %dma_start3A_36 = arith.constant 0 : i32
      %dma_start3A_37 = tpu.memref_slice %arg3[%arg0, %arg1, %dma_start3A_35, %dma_start3A_36] : memref<2x16x90x112xi32, #tpu.memory_space<hbm>> -> memref<1x1x90x112xi32, #tpu.memory_space<hbm>>
      %dma_start3A_38 = tpu.memref_squeeze %dma_start3A_37 : memref<1x1x90x112xi32, #tpu.memory_space<hbm>> -> memref<90x112xi32, #tpu.memory_space<hbm>>
      %dma_start3A_39 = arith.constant 0 : i32
      %dma_start3A_40 = arith.constant 0 : i32
      %dma_start3A_41 = tpu.memref_slice %arg3[%arg0, %arg1, %dma_start3A_39, %dma_start3A_40] : memref<2x16x90x112xi32, #tpu.memory_space<hbm>> -> memref<1x1x90x112xi32, #tpu.memory_space<hbm>>
      %dma_start3A_42 = tpu.memref_squeeze %dma_start3A_41 : memref<1x1x90x112xi32, #tpu.memory_space<hbm>> -> memref<90x112xi32, #tpu.memory_space<hbm>>
      tpu.enqueue_dma source(%dma_start3A_42 : memref<90x112xi32, #tpu.memory_space<hbm>>) target(%arg7 : memref<90x112xi32, #tpu.memory_space<vmem>>) target_semaphore(%run_scoped3A : memref<!tpu.dma_semaphore, #tpu.memory_space<semaphore_mem>>)
      %dma_wait3A = arith.constant 0 : i32
      %dma_wait3A_43 = arith.constant 0 : i32
      %dma_wait3A_44 = tpu.memref_slice %arg3[%arg0, %arg1, %dma_wait3A, %dma_wait3A_43] : memref<2x16x90x112xi32, #tpu.memory_space<hbm>> -> memref<1x1x90x112xi32, #tpu.memory_space<hbm>>
      %dma_wait3A_45 = tpu.memref_squeeze %dma_wait3A_44 : memref<1x1x90x112xi32, #tpu.memory_space<hbm>> -> memref<90x112xi32, #tpu.memory_space<hbm>>
      %dma_wait3A_46 = arith.constant 0 : i32
      %dma_wait3A_47 = arith.constant 0 : i32
      %dma_wait3A_48 = tpu.memref_slice %arg3[%arg0, %arg1, %dma_wait3A_46, %dma_wait3A_47] : memref<2x16x90x112xi32, #tpu.memory_space<hbm>> -> memref<1x1x90x112xi32, #tpu.memory_space<hbm>>
      %dma_wait3A_49 = tpu.memref_squeeze %dma_wait3A_48 : memref<1x1x90x112xi32, #tpu.memory_space<hbm>> -> memref<90x112xi32, #tpu.memory_space<hbm>>
      tpu.wait_dma2 semaphore(%run_scoped3A : memref<!tpu.dma_semaphore, #tpu.memory_space<semaphore_mem>>) src(%dma_wait3A_49 : memref<90x112xi32, #tpu.memory_space<hbm>>) dst(%arg7 : memref<90x112xi32, #tpu.memory_space<vmem>>)
      tpu.yield
    }) : () -> ()
    "tpu.region"() ({
      %run_scoped3A = tpu.sem_alloc : memref<!tpu.dma_semaphore, #tpu.memory_space<semaphore_mem>>
      %dma_start3A_35 = arith.constant 0 : i32
      %dma_start3A_36 = arith.constant 0 : i32
      %dma_start3A_37 = tpu.memref_slice %arg4[%arg0, %arg1, %dma_start3A_35, %dma_start3A_36] : memref<2x16x90x112xi32, #tpu.memory_space<hbm>> -> memref<1x1x90x112xi32, #tpu.memory_space<hbm>>
      %dma_start3A_38 = tpu.memref_squeeze %dma_start3A_37 : memref<1x1x90x112xi32, #tpu.memory_space<hbm>> -> memref<90x112xi32, #tpu.memory_space<hbm>>
      %dma_start3A_39 = arith.constant 0 : i32
      %dma_start3A_40 = arith.constant 0 : i32
      %dma_start3A_41 = tpu.memref_slice %arg4[%arg0, %arg1, %dma_start3A_39, %dma_start3A_40] : memref<2x16x90x112xi32, #tpu.memory_space<hbm>> -> memref<1x1x90x112xi32, #tpu.memory_space<hbm>>
      %dma_start3A_42 = tpu.memref_squeeze %dma_start3A_41 : memref<1x1x90x112xi32, #tpu.memory_space<hbm>> -> memref<90x112xi32, #tpu.memory_space<hbm>>
      tpu.enqueue_dma source(%dma_start3A_42 : memref<90x112xi32, #tpu.memory_space<hbm>>) target(%arg8 : memref<90x112xi32, #tpu.memory_space<vmem>>) target_semaphore(%run_scoped3A : memref<!tpu.dma_semaphore, #tpu.memory_space<semaphore_mem>>)
      %dma_wait3A = arith.constant 0 : i32
      %dma_wait3A_43 = arith.constant 0 : i32
      %dma_wait3A_44 = tpu.memref_slice %arg4[%arg0, %arg1, %dma_wait3A, %dma_wait3A_43] : memref<2x16x90x112xi32, #tpu.memory_space<hbm>> -> memref<1x1x90x112xi32, #tpu.memory_space<hbm>>
      %dma_wait3A_45 = tpu.memref_squeeze %dma_wait3A_44 : memref<1x1x90x112xi32, #tpu.memory_space<hbm>> -> memref<90x112xi32, #tpu.memory_space<hbm>>
      %dma_wait3A_46 = arith.constant 0 : i32
      %dma_wait3A_47 = arith.constant 0 : i32
      %dma_wait3A_48 = tpu.memref_slice %arg4[%arg0, %arg1, %dma_wait3A_46, %dma_wait3A_47] : memref<2x16x90x112xi32, #tpu.memory_space<hbm>> -> memref<1x1x90x112xi32, #tpu.memory_space<hbm>>
      %dma_wait3A_49 = tpu.memref_squeeze %dma_wait3A_48 : memref<1x1x90x112xi32, #tpu.memory_space<hbm>> -> memref<90x112xi32, #tpu.memory_space<hbm>>
      tpu.wait_dma2 semaphore(%run_scoped3A : memref<!tpu.dma_semaphore, #tpu.memory_space<semaphore_mem>>) src(%dma_wait3A_49 : memref<90x112xi32, #tpu.memory_space<hbm>>) dst(%arg8 : memref<90x112xi32, #tpu.memory_space<vmem>>)
      tpu.yield
    }) : () -> ()
    %mul3A = arith.constant 632 : i32
    %mul3A_0 = arith.muli %arg1, %mul3A : i32
    "tpu.region"() ({
      %run_scoped3A = tpu.sem_alloc : memref<!tpu.dma_semaphore, #tpu.memory_space<semaphore_mem>>
      %dma_start3A_35 = arith.constant 0 : i32
      %dma_start3A_36 = tpu.memref_slice %arg10[%mul3A_0, %dma_start3A_35] : memref<10112x128xf32, #tpu.memory_space<vmem_shared>> -> memref<632x128xf32, #tpu.memory_space<vmem_shared>>
      tpu.enqueue_dma source(%arg5 : memref<632x128xf32, #tpu.memory_space<hbm>>) target(%dma_start3A_36 : memref<632x128xf32, #tpu.memory_space<vmem_shared>>) target_semaphore(%run_scoped3A : memref<!tpu.dma_semaphore, #tpu.memory_space<semaphore_mem>>)
      %dma_wait3A = arith.constant 0 : i32
      %dma_wait3A_37 = tpu.memref_slice %arg10[%mul3A_0, %dma_wait3A] : memref<10112x128xf32, #tpu.memory_space<vmem_shared>> -> memref<632x128xf32, #tpu.memory_space<vmem_shared>>
      tpu.wait_dma2 semaphore(%run_scoped3A : memref<!tpu.dma_semaphore, #tpu.memory_space<semaphore_mem>>) src(%arg5 : memref<632x128xf32, #tpu.memory_space<hbm>>) dst(%dma_wait3A_37 : memref<632x128xf32, #tpu.memory_space<vmem_shared>>)
      tpu.yield
    }) : () -> ()
    %barrier3A = arith.constant 0 : index
    tpu.barrier barrier_id(%barrier3A)
    %dma_start3A = arith.constant 0 : i32
    %dma_start3A_1 = arith.constant 0 : i32
    %dma_start3A_2 = arith.constant 0 : i32
    %dma_start3A_3 = arith.constant 0 : i32
    %dma_start3A_4 = tpu.memref_slice %arg9[%dma_start3A_1, %dma_start3A_2, %dma_start3A_3] : memref<2x112x128xf32, #tpu.memory_space<vmem>> -> memref<1x112x128xf32, #tpu.memory_space<vmem>>
    %dma_start3A_5 = tpu.memref_squeeze %dma_start3A_4 : memref<1x112x128xf32, #tpu.memory_space<vmem>> -> memref<112x128xf32, #tpu.memory_space<vmem>>
    %dma_start3A_6 = arith.constant 0 : i32
    %dma_start3A_7 = tpu.memref_slice %arg7[%dma_start3A, %dma_start3A_6] : memref<90x112xi32, #tpu.memory_space<vmem>> -> memref<1x112xi32, #tpu.memory_space<vmem>>
    %dma_start3A_8 = tpu.memref_squeeze %dma_start3A_7 : memref<1x112xi32, #tpu.memory_space<vmem>> -> memref<112xi32, #tpu.memory_space<vmem>>
    %dma_start3A_9 = arith.constant 0 : i32
    %dma_start3A_10 = arith.constant 0 : i32
    %dma_start3A_11 = tpu.memref_slice %arg2[%dma_start3A_9, %dma_start3A_10] : memref<10000x128xf32, #tpu.memory_space<hbm>> -> memref<10000x128xf32, #tpu.memory_space<hbm>>
    tpu.enqueue_indirect_dma source(%dma_start3A_11 : memref<10000x128xf32, #tpu.memory_space<hbm>>) target(%dma_start3A_5 : memref<112x128xf32, #tpu.memory_space<vmem>>) offsets(%dma_start3A_8 : memref<112xi32, #tpu.memory_space<vmem>>) semaphore(%arg11 : memref<!tpu.dma_semaphore, #tpu.memory_space<semaphore_mem>>)
    %dma_start3A_12 = arith.constant 1 : i32
    %dma_start3A_13 = arith.constant 1 : i32
    %dma_start3A_14 = arith.constant 0 : i32
    %dma_start3A_15 = arith.constant 0 : i32
    %dma_start3A_16 = tpu.memref_slice %arg9[%dma_start3A_13, %dma_start3A_14, %dma_start3A_15] : memref<2x112x128xf32, #tpu.memory_space<vmem>> -> memref<1x112x128xf32, #tpu.memory_space<vmem>>
    %dma_start3A_17 = tpu.memref_squeeze %dma_start3A_16 : memref<1x112x128xf32, #tpu.memory_space<vmem>> -> memref<112x128xf32, #tpu.memory_space<vmem>>
    %dma_start3A_18 = arith.constant 0 : i32
    %dma_start3A_19 = tpu.memref_slice %arg7[%dma_start3A_12, %dma_start3A_18] : memref<90x112xi32, #tpu.memory_space<vmem>> -> memref<1x112xi32, #tpu.memory_space<vmem>>
    %dma_start3A_20 = tpu.memref_squeeze %dma_start3A_19 : memref<1x112xi32, #tpu.memory_space<vmem>> -> memref<112xi32, #tpu.memory_space<vmem>>
    %dma_start3A_21 = arith.constant 0 : i32
    %dma_start3A_22 = arith.constant 0 : i32
    %dma_start3A_23 = tpu.memref_slice %arg2[%dma_start3A_21, %dma_start3A_22] : memref<10000x128xf32, #tpu.memory_space<hbm>> -> memref<10000x128xf32, #tpu.memory_space<hbm>>
    tpu.enqueue_indirect_dma source(%dma_start3A_23 : memref<10000x128xf32, #tpu.memory_space<hbm>>) target(%dma_start3A_17 : memref<112x128xf32, #tpu.memory_space<vmem>>) offsets(%dma_start3A_20 : memref<112xi32, #tpu.memory_space<vmem>>) semaphore(%arg12 : memref<!tpu.dma_semaphore, #tpu.memory_space<semaphore_mem>>)
    %scan3A = arith.constant 0 : i32
    %scan3A_24 = arith.constant 0 : i32
    %scan3A_25 = arith.constant 45 : i32
    %scan3A_26 = arith.addi %scan3A_24, %scan3A_25 : i32
    %scan3A_27 = arith.constant 1 : i32
    %scan3A_28 = scf.for %scan3A_35 = %scan3A_24 to %scan3A_26 step %scan3A_27 iter_args(%scan3A_36 = %scan3A) -> (i32)  : i32 {
      %mul3A_37 = arith.constant 2 : i32
      %mul3A_38 = arith.muli %scan3A_35, %mul3A_37 : i32
      %add3A = arith.constant 0 : i32
      %add3A_39 = arith.addi %mul3A_38, %add3A : i32
      %dma_wait3A = arith.constant 0 : i32
      %dma_wait3A_40 = arith.constant 0 : i32
      %dma_wait3A_41 = arith.constant 0 : i32
      %dma_wait3A_42 = tpu.memref_slice %arg9[%dma_wait3A, %dma_wait3A_40, %dma_wait3A_41] : memref<2x112x128xf32, #tpu.memory_space<vmem>> -> memref<1x112x128xf32, #tpu.memory_space<vmem>>
      %dma_wait3A_43 = tpu.memref_squeeze %dma_wait3A_42 : memref<1x112x128xf32, #tpu.memory_space<vmem>> -> memref<112x128xf32, #tpu.memory_space<vmem>>
      %dma_wait3A_44 = arith.constant 0 : i32
      %dma_wait3A_45 = tpu.memref_slice %arg7[%add3A_39, %dma_wait3A_44] : memref<90x112xi32, #tpu.memory_space<vmem>> -> memref<1x112xi32, #tpu.memory_space<vmem>>
      %dma_wait3A_46 = tpu.memref_squeeze %dma_wait3A_45 : memref<1x112xi32, #tpu.memory_space<vmem>> -> memref<112xi32, #tpu.memory_space<vmem>>
      %dma_wait3A_47 = arith.constant 0 : i32
      %dma_wait3A_48 = arith.constant 0 : i32
      %dma_wait3A_49 = tpu.memref_slice %arg2[%dma_wait3A_47, %dma_wait3A_48] : memref<10000x128xf32, #tpu.memory_space<hbm>> -> memref<10000x128xf32, #tpu.memory_space<hbm>>
      tpu.wait_indirect_dma semaphore(%arg11 : memref<!tpu.dma_semaphore, #tpu.memory_space<semaphore_mem>>) src(%dma_wait3A_49 : memref<10000x128xf32, #tpu.memory_space<hbm>>) dst(%dma_wait3A_43 : memref<112x128xf32, #tpu.memory_space<vmem>>)
      %run_scoped3A = arith.constant 0 : i32
      "tpu.region"() ({
        %run_scoped3A_78 = tpu.sem_alloc : memref<!tpu.dma_semaphore, #tpu.memory_space<semaphore_mem>>
        %dma_start3A_79 = arith.constant 0 : i32
        %dma_start3A_80 = arith.constant 0 : i32
        %dma_start3A_81 = tpu.memref_slice %arg9[%run_scoped3A, %dma_start3A_79, %dma_start3A_80] : memref<2x112x128xf32, #tpu.memory_space<vmem>> -> memref<1x112x128xf32, #tpu.memory_space<vmem>>
        %dma_start3A_82 = tpu.memref_squeeze %dma_start3A_81 : memref<1x112x128xf32, #tpu.memory_space<vmem>> -> memref<112x128xf32, #tpu.memory_space<vmem>>
        %dma_start3A_83 = arith.constant 0 : i32
        %dma_start3A_84 = tpu.memref_slice %arg8[%add3A_39, %dma_start3A_83] : memref<90x112xi32, #tpu.memory_space<vmem>> -> memref<1x112xi32, #tpu.memory_space<vmem>>
        %dma_start3A_85 = tpu.memref_squeeze %dma_start3A_84 : memref<1x112xi32, #tpu.memory_space<vmem>> -> memref<112xi32, #tpu.memory_space<vmem>>
        %dma_start3A_86 = arith.constant 0 : i32
        %dma_start3A_87 = arith.constant 0 : i32
        %dma_start3A_88 = tpu.memref_slice %arg10[%dma_start3A_86, %dma_start3A_87] : memref<10112x128xf32, #tpu.memory_space<vmem_shared>> -> memref<10112x128xf32, #tpu.memory_space<vmem_shared>>
        tpu.enqueue_indirect_dma source(%dma_start3A_82 : memref<112x128xf32, #tpu.memory_space<vmem>>) target(%dma_start3A_88 : memref<10112x128xf32, #tpu.memory_space<vmem_shared>>) offsets(%dma_start3A_85 : memref<112xi32, #tpu.memory_space<vmem>>) semaphore(%run_scoped3A_78 : memref<!tpu.dma_semaphore, #tpu.memory_space<semaphore_mem>>) {add = true}
        %dma_wait3A_89 = arith.constant 0 : i32
        %dma_wait3A_90 = arith.constant 0 : i32
        %dma_wait3A_91 = tpu.memref_slice %arg9[%run_scoped3A, %dma_wait3A_89, %dma_wait3A_90] : memref<2x112x128xf32, #tpu.memory_space<vmem>> -> memref<1x112x128xf32, #tpu.memory_space<vmem>>
        %dma_wait3A_92 = tpu.memref_squeeze %dma_wait3A_91 : memref<1x112x128xf32, #tpu.memory_space<vmem>> -> memref<112x128xf32, #tpu.memory_space<vmem>>
        %dma_wait3A_93 = arith.constant 0 : i32
        %dma_wait3A_94 = tpu.memref_slice %arg8[%add3A_39, %dma_wait3A_93] : memref<90x112xi32, #tpu.memory_space<vmem>> -> memref<1x112xi32, #tpu.memory_space<vmem>>
        %dma_wait3A_95 = tpu.memref_squeeze %dma_wait3A_94 : memref<1x112xi32, #tpu.memory_space<vmem>> -> memref<112xi32, #tpu.memory_space<vmem>>
        %dma_wait3A_96 = arith.constant 0 : i32
        %dma_wait3A_97 = arith.constant 0 : i32
        %dma_wait3A_98 = tpu.memref_slice %arg10[%dma_wait3A_96, %dma_wait3A_97] : memref<10112x128xf32, #tpu.memory_space<vmem_shared>> -> memref<10112x128xf32, #tpu.memory_space<vmem_shared>>
        tpu.wait_indirect_dma semaphore(%run_scoped3A_78 : memref<!tpu.dma_semaphore, #tpu.memory_space<semaphore_mem>>) src(%dma_wait3A_92 : memref<112x128xf32, #tpu.memory_space<vmem>>) dst(%dma_wait3A_98 : memref<10112x128xf32, #tpu.memory_space<vmem_shared>>)
        tpu.yield
      }) : () -> ()
      %add3A_50 = arith.constant 2 : i32
      %add3A_51 = arith.addi %add3A_39, %add3A_50 : i32
      %lt3A = arith.constant 90 : i32
      %lt3A_52 = arith.cmpi slt, %add3A_51, %lt3A : i32
      %convert_element_type3A = arith.extui %lt3A_52 : i1 to i32
      %cond3A = arith.constant 0 : i32
      %cond3A_53 = arith.cmpi ne, %convert_element_type3A, %cond3A : i32
      scf.if %cond3A_53 {
        %add3A_78 = arith.constant 2 : i32
        %add3A_79 = arith.addi %add3A_39, %add3A_78 : i32
        %dma_start3A_80 = arith.constant 0 : i32
        %dma_start3A_81 = arith.constant 0 : i32
        %dma_start3A_82 = arith.constant 0 : i32
        %dma_start3A_83 = tpu.memref_slice %arg9[%dma_start3A_80, %dma_start3A_81, %dma_start3A_82] : memref<2x112x128xf32, #tpu.memory_space<vmem>> -> memref<1x112x128xf32, #tpu.memory_space<vmem>>
        %dma_start3A_84 = tpu.memref_squeeze %dma_start3A_83 : memref<1x112x128xf32, #tpu.memory_space<vmem>> -> memref<112x128xf32, #tpu.memory_space<vmem>>
        %dma_start3A_85 = arith.constant 0 : i32
        %dma_start3A_86 = tpu.memref_slice %arg7[%add3A_79, %dma_start3A_85] : memref<90x112xi32, #tpu.memory_space<vmem>> -> memref<1x112xi32, #tpu.memory_space<vmem>>
        %dma_start3A_87 = tpu.memref_squeeze %dma_start3A_86 : memref<1x112xi32, #tpu.memory_space<vmem>> -> memref<112xi32, #tpu.memory_space<vmem>>
        %dma_start3A_88 = arith.constant 0 : i32
        %dma_start3A_89 = arith.constant 0 : i32
        %dma_start3A_90 = tpu.memref_slice %arg2[%dma_start3A_88, %dma_start3A_89] : memref<10000x128xf32, #tpu.memory_space<hbm>> -> memref<10000x128xf32, #tpu.memory_space<hbm>>
        tpu.enqueue_indirect_dma source(%dma_start3A_90 : memref<10000x128xf32, #tpu.memory_space<hbm>>) target(%dma_start3A_84 : memref<112x128xf32, #tpu.memory_space<vmem>>) offsets(%dma_start3A_87 : memref<112xi32, #tpu.memory_space<vmem>>) semaphore(%arg11 : memref<!tpu.dma_semaphore, #tpu.memory_space<semaphore_mem>>)
      } else {
      }
      %mul3A_54 = arith.constant 2 : i32
      %mul3A_55 = arith.muli %scan3A_35, %mul3A_54 : i32
      %add3A_56 = arith.constant 1 : i32
      %add3A_57 = arith.addi %mul3A_55, %add3A_56 : i32
      %dma_wait3A_58 = arith.constant 1 : i32
      %dma_wait3A_59 = arith.constant 0 : i32
      %dma_wait3A_60 = arith.constant 0 : i32
      %dma_wait3A_61 = tpu.memref_slice %arg9[%dma_wait3A_58, %dma_wait3A_59, %dma_wait3A_60] : memref<2x112x128xf32, #tpu.memory_space<vmem>> -> memref<1x112x128xf32, #tpu.memory_space<vmem>>
      %dma_wait3A_62 = tpu.memref_squeeze %dma_wait3A_61 : memref<1x112x128xf32, #tpu.memory_space<vmem>> -> memref<112x128xf32, #tpu.memory_space<vmem>>
      %dma_wait3A_63 = arith.constant 0 : i32
      %dma_wait3A_64 = tpu.memref_slice %arg7[%add3A_57, %dma_wait3A_63] : memref<90x112xi32, #tpu.memory_space<vmem>> -> memref<1x112xi32, #tpu.memory_space<vmem>>
      %dma_wait3A_65 = tpu.memref_squeeze %dma_wait3A_64 : memref<1x112xi32, #tpu.memory_space<vmem>> -> memref<112xi32, #tpu.memory_space<vmem>>
      %dma_wait3A_66 = arith.constant 0 : i32
      %dma_wait3A_67 = arith.constant 0 : i32
      %dma_wait3A_68 = tpu.memref_slice %arg2[%dma_wait3A_66, %dma_wait3A_67] : memref<10000x128xf32, #tpu.memory_space<hbm>> -> memref<10000x128xf32, #tpu.memory_space<hbm>>
      tpu.wait_indirect_dma semaphore(%arg12 : memref<!tpu.dma_semaphore, #tpu.memory_space<semaphore_mem>>) src(%dma_wait3A_68 : memref<10000x128xf32, #tpu.memory_space<hbm>>) dst(%dma_wait3A_62 : memref<112x128xf32, #tpu.memory_space<vmem>>)
      %run_scoped3A_69 = arith.constant 1 : i32
      "tpu.region"() ({
        %run_scoped3A_78 = tpu.sem_alloc : memref<!tpu.dma_semaphore, #tpu.memory_space<semaphore_mem>>
        %dma_start3A_79 = arith.constant 0 : i32
        %dma_start3A_80 = arith.constant 0 : i32
        %dma_start3A_81 = tpu.memref_slice %arg9[%run_scoped3A_69, %dma_start3A_79, %dma_start3A_80] : memref<2x112x128xf32, #tpu.memory_space<vmem>> -> memref<1x112x128xf32, #tpu.memory_space<vmem>>
        %dma_start3A_82 = tpu.memref_squeeze %dma_start3A_81 : memref<1x112x128xf32, #tpu.memory_space<vmem>> -> memref<112x128xf32, #tpu.memory_space<vmem>>
        %dma_start3A_83 = arith.constant 0 : i32
        %dma_start3A_84 = tpu.memref_slice %arg8[%add3A_57, %dma_start3A_83] : memref<90x112xi32, #tpu.memory_space<vmem>> -> memref<1x112xi32, #tpu.memory_space<vmem>>
        %dma_start3A_85 = tpu.memref_squeeze %dma_start3A_84 : memref<1x112xi32, #tpu.memory_space<vmem>> -> memref<112xi32, #tpu.memory_space<vmem>>
        %dma_start3A_86 = arith.constant 0 : i32
        %dma_start3A_87 = arith.constant 0 : i32
        %dma_start3A_88 = tpu.memref_slice %arg10[%dma_start3A_86, %dma_start3A_87] : memref<10112x128xf32, #tpu.memory_space<vmem_shared>> -> memref<10112x128xf32, #tpu.memory_space<vmem_shared>>
        tpu.enqueue_indirect_dma source(%dma_start3A_82 : memref<112x128xf32, #tpu.memory_space<vmem>>) target(%dma_start3A_88 : memref<10112x128xf32, #tpu.memory_space<vmem_shared>>) offsets(%dma_start3A_85 : memref<112xi32, #tpu.memory_space<vmem>>) semaphore(%run_scoped3A_78 : memref<!tpu.dma_semaphore, #tpu.memory_space<semaphore_mem>>) {add = true}
        %dma_wait3A_89 = arith.constant 0 : i32
        %dma_wait3A_90 = arith.constant 0 : i32
        %dma_wait3A_91 = tpu.memref_slice %arg9[%run_scoped3A_69, %dma_wait3A_89, %dma_wait3A_90] : memref<2x112x128xf32, #tpu.memory_space<vmem>> -> memref<1x112x128xf32, #tpu.memory_space<vmem>>
        %dma_wait3A_92 = tpu.memref_squeeze %dma_wait3A_91 : memref<1x112x128xf32, #tpu.memory_space<vmem>> -> memref<112x128xf32, #tpu.memory_space<vmem>>
        %dma_wait3A_93 = arith.constant 0 : i32
        %dma_wait3A_94 = tpu.memref_slice %arg8[%add3A_57, %dma_wait3A_93] : memref<90x112xi32, #tpu.memory_space<vmem>> -> memref<1x112xi32, #tpu.memory_space<vmem>>
        %dma_wait3A_95 = tpu.memref_squeeze %dma_wait3A_94 : memref<1x112xi32, #tpu.memory_space<vmem>> -> memref<112xi32, #tpu.memory_space<vmem>>
        %dma_wait3A_96 = arith.constant 0 : i32
        %dma_wait3A_97 = arith.constant 0 : i32
        %dma_wait3A_98 = tpu.memref_slice %arg10[%dma_wait3A_96, %dma_wait3A_97] : memref<10112x128xf32, #tpu.memory_space<vmem_shared>> -> memref<10112x128xf32, #tpu.memory_space<vmem_shared>>
        tpu.wait_indirect_dma semaphore(%run_scoped3A_78 : memref<!tpu.dma_semaphore, #tpu.memory_space<semaphore_mem>>) src(%dma_wait3A_92 : memref<112x128xf32, #tpu.memory_space<vmem>>) dst(%dma_wait3A_98 : memref<10112x128xf32, #tpu.memory_space<vmem_shared>>)
        tpu.yield
      }) : () -> ()
      %add3A_70 = arith.constant 2 : i32
      %add3A_71 = arith.addi %add3A_57, %add3A_70 : i32
      %lt3A_72 = arith.constant 90 : i32
      %lt3A_73 = arith.cmpi slt, %add3A_71, %lt3A_72 : i32
      %convert_element_type3A_74 = arith.extui %lt3A_73 : i1 to i32
      %cond3A_75 = arith.constant 0 : i32
      %cond3A_76 = arith.cmpi ne, %convert_element_type3A_74, %cond3A_75 : i32
      scf.if %cond3A_76 {
        %add3A_78 = arith.constant 2 : i32
        %add3A_79 = arith.addi %add3A_57, %add3A_78 : i32
        %dma_start3A_80 = arith.constant 1 : i32
        %dma_start3A_81 = arith.constant 0 : i32
        %dma_start3A_82 = arith.constant 0 : i32
        %dma_start3A_83 = tpu.memref_slice %arg9[%dma_start3A_80, %dma_start3A_81, %dma_start3A_82] : memref<2x112x128xf32, #tpu.memory_space<vmem>> -> memref<1x112x128xf32, #tpu.memory_space<vmem>>
        %dma_start3A_84 = tpu.memref_squeeze %dma_start3A_83 : memref<1x112x128xf32, #tpu.memory_space<vmem>> -> memref<112x128xf32, #tpu.memory_space<vmem>>
        %dma_start3A_85 = arith.constant 0 : i32
        %dma_start3A_86 = tpu.memref_slice %arg7[%add3A_79, %dma_start3A_85] : memref<90x112xi32, #tpu.memory_space<vmem>> -> memref<1x112xi32, #tpu.memory_space<vmem>>
        %dma_start3A_87 = tpu.memref_squeeze %dma_start3A_86 : memref<1x112xi32, #tpu.memory_space<vmem>> -> memref<112xi32, #tpu.memory_space<vmem>>
        %dma_start3A_88 = arith.constant 0 : i32
        %dma_start3A_89 = arith.constant 0 : i32
        %dma_start3A_90 = tpu.memref_slice %arg2[%dma_start3A_88, %dma_start3A_89] : memref<10000x128xf32, #tpu.memory_space<hbm>> -> memref<10000x128xf32, #tpu.memory_space<hbm>>
        tpu.enqueue_indirect_dma source(%dma_start3A_90 : memref<10000x128xf32, #tpu.memory_space<hbm>>) target(%dma_start3A_84 : memref<112x128xf32, #tpu.memory_space<vmem>>) offsets(%dma_start3A_87 : memref<112xi32, #tpu.memory_space<vmem>>) semaphore(%arg12 : memref<!tpu.dma_semaphore, #tpu.memory_space<semaphore_mem>>)
      } else {
      }
      %scan3A_77 = arith.constant 0 : i32
      scf.yield %scan3A_77 : i32
    }
    %scan3A_29 = arith.constant 45 : i32
    %barrier3A_30 = arith.constant 0 : index
    tpu.barrier barrier_id(%barrier3A_30)
    %mul3A_31 = arith.constant 632 : i32
    %mul3A_32 = arith.muli %arg1, %mul3A_31 : i32
    %mul3A_33 = arith.constant 632 : i32
    %mul3A_34 = arith.muli %arg1, %mul3A_33 : i32
    "tpu.region"() ({
      %run_scoped3A = tpu.sem_alloc : memref<!tpu.dma_semaphore, #tpu.memory_space<semaphore_mem>>
      %dma_start3A_35 = arith.constant 0 : i32
      %dma_start3A_36 = tpu.memref_slice %arg6[%arg0, %mul3A_34, %dma_start3A_35] : memref<2x10112x128xf32, #tpu.memory_space<hbm>> -> memref<1x632x128xf32, #tpu.memory_space<hbm>>
      %dma_start3A_37 = tpu.memref_squeeze %dma_start3A_36 : memref<1x632x128xf32, #tpu.memory_space<hbm>> -> memref<632x128xf32, #tpu.memory_space<hbm>>
      %dma_start3A_38 = arith.constant 0 : i32
      %dma_start3A_39 = tpu.memref_slice %arg10[%mul3A_32, %dma_start3A_38] : memref<10112x128xf32, #tpu.memory_space<vmem_shared>> -> memref<632x128xf32, #tpu.memory_space<vmem_shared>>
      tpu.enqueue_dma source(%dma_start3A_39 : memref<632x128xf32, #tpu.memory_space<vmem_shared>>) target(%dma_start3A_37 : memref<632x128xf32, #tpu.memory_space<hbm>>) target_semaphore(%run_scoped3A : memref<!tpu.dma_semaphore, #tpu.memory_space<semaphore_mem>>)
      %dma_wait3A = arith.constant 0 : i32
      %dma_wait3A_40 = tpu.memref_slice %arg6[%arg0, %mul3A_34, %dma_wait3A] : memref<2x10112x128xf32, #tpu.memory_space<hbm>> -> memref<1x632x128xf32, #tpu.memory_space<hbm>>
      %dma_wait3A_41 = tpu.memref_squeeze %dma_wait3A_40 : memref<1x632x128xf32, #tpu.memory_space<hbm>> -> memref<632x128xf32, #tpu.memory_space<hbm>>
      %dma_wait3A_42 = arith.constant 0 : i32
      %dma_wait3A_43 = tpu.memref_slice %arg10[%mul3A_32, %dma_wait3A_42] : memref<10112x128xf32, #tpu.memory_space<vmem_shared>> -> memref<632x128xf32, #tpu.memory_space<vmem_shared>>
      tpu.wait_dma2 semaphore(%run_scoped3A : memref<!tpu.dma_semaphore, #tpu.memory_space<semaphore_mem>>) src(%dma_wait3A_43 : memref<632x128xf32, #tpu.memory_space<vmem_shared>>) dst(%dma_wait3A_41 : memref<632x128xf32, #tpu.memory_space<hbm>>)
      tpu.yield
    }) : () -> ()
    return
  }
}

module attributes {stable_mosaic.version = 14 : i64} {
  func.func @_tc_in(%arg0: i32, %arg1: memref<1000x128xf32, #tpu.memory_space<vmem>>, %arg2: memref<128x128xf32, #tpu.memory_space<vmem>>, %arg3: memref<1x128xf32, #tpu.memory_space<vmem>>, %arg4: memref<1000x128xf32, #tpu.memory_space<vmem>>) attributes {dimension_semantics = [#tpu.dimension_semantics<arbitrary>], iteration_bounds = array<i64: 10>, scalar_prefetch = 0 : i64, scratch_operands = 0 : i64, tpu.core_type = #tpu.core_type<tc>, window_params = [{transform_indices = @transform_0, window_bounds = array<i64: 1000, 128>}, {pipeline_mode = #tpu.pipeline_mode<synchronous>, transform_indices = @transform_1, window_bounds = array<i64: 128, 128>}, {pipeline_mode = #tpu.pipeline_mode<synchronous>, transform_indices = @transform_2, window_bounds = array<i64: 1, 128>}, {transform_indices = @transform_3, window_bounds = array<i64: 1000, 128>}]} {
    %get3A = arith.constant 0 : index
    %get3A_0 = arith.constant 0 : index
    %get3A_1 = vector.load %arg1[%get3A, %get3A_0] : memref<1000x128xf32, #tpu.memory_space<vmem>>, vector<1000x128xf32>
    %get3A_2 = arith.constant 0 : index
    %get3A_3 = arith.constant 0 : index
    %get3A_4 = vector.load %arg2[%get3A_2, %get3A_3] : memref<128x128xf32, #tpu.memory_space<vmem>>, vector<128x128xf32>
    %dot_general3A = arith.constant dense<0.000000e+00> : vector<1000x128xf32>
    %dot_general3A_5 = tpu.matmul %get3A_1, %get3A_4, %dot_general3A {dimension_numbers = #tpu.dot_dimension_numbers<[1], [0], [0], [1], [0, 0, 1, 1], [], []>, transpose_lhs_hint = false} : vector<1000x128xf32>, vector<128x128xf32>, vector<1000x128xf32> -> vector<1000x128xf32>
    %get3A_6 = arith.constant 0 : index
    %get3A_7 = arith.constant 0 : index
    %get3A_8 = vector.load %arg3[%get3A_6, %get3A_7] : memref<1x128xf32, #tpu.memory_space<vmem>>, vector<1x128xf32>
    %add3A = vector.broadcast %get3A_8 : vector<1x128xf32> to vector<1000x128xf32>
    %add3A_9 = arith.addf %dot_general3A_5, %add3A : vector<1000x128xf32>
    %ge3A = arith.constant 0.000000e+00 : f32
    %ge3A_10 = vector.broadcast %ge3A : f32 to vector<1000x128xf32>
    %ge3A_11 = arith.cmpf oge, %add3A_9, %ge3A_10 : vector<1000x128xf32>
    %mul3A = arith.constant 0.00999999977 : f32
    %mul3A_12 = vector.broadcast %mul3A : f32 to vector<1000x128xf32>
    %mul3A_13 = arith.mulf %mul3A_12, %add3A_9 : vector<1000x128xf32>
    %select_n3A = arith.select %ge3A_11, %add3A_9, %mul3A_13 : vector<1000x128xi1>, vector<1000x128xf32>
    %swap3A = arith.constant 0 : index
    %swap3A_14 = arith.constant 0 : index
    %swap3A_15 = vector.load %arg4[%swap3A, %swap3A_14] : memref<1000x128xf32, #tpu.memory_space<vmem>>, vector<1000x128xf32>
    tpu.vector_store %arg4[%swap3A, %swap3A_14], %select_n3A {strides = array<i32>} : memref<1000x128xf32, #tpu.memory_space<vmem>>, vector<1000x128xf32>,
    return
  }
  func.func @transform_0(%arg0: i32) -> (i32, i32) {
    %c0_i32 = arith.constant 0 : i32
    %c0_i32_0 = arith.constant 0 : i32
    return %arg0, %c0_i32 : i32, i32
  }
  func.func @transform_1(%arg0: i32) -> (i32, i32) {
    %c0_i32 = arith.constant 0 : i32
    %c0_i32_0 = arith.constant 0 : i32
    %c0_i32_1 = arith.constant 0 : i32
    return %c0_i32, %c0_i32_0 : i32, i32
  }
  func.func @transform_2(%arg0: i32) -> (i32, i32) {
    %c0_i32 = arith.constant 0 : i32
    %c0_i32_0 = arith.constant 0 : i32
    %c0_i32_1 = arith.constant 0 : i32
    return %c0_i32, %c0_i32_0 : i32, i32
  }
  func.func @transform_3(%arg0: i32) -> (i32, i32) {
    %c0_i32 = arith.constant 0 : i32
    %c0_i32_0 = arith.constant 0 : i32
    return %arg0, %c0_i32 : i32, i32
  }
}

module attributes {stable_mosaic.version = 14 : i64} {
  func.func @_tc_mid(%arg0: i32, %arg1: memref<1000x128xf32, #tpu.memory_space<vmem>>, %arg2: memref<2x1000x128xf32, #tpu.memory_space<vmem>>, %arg3: memref<128x128xf32, #tpu.memory_space<vmem>>, %arg4: memref<1x128xf32, #tpu.memory_space<vmem>>, %arg5: memref<1000x128xf32, #tpu.memory_space<vmem>>) attributes {dimension_semantics = [#tpu.dimension_semantics<arbitrary>], iteration_bounds = array<i64: 10>, scalar_prefetch = 0 : i64, scratch_operands = 0 : i64, tpu.core_type = #tpu.core_type<tc>, window_params = [{transform_indices = @transform_0, window_bounds = array<i64: 1000, 128>}, {transform_indices = @transform_1, window_bounds = array<i64: 2, 1000, 128>}, {pipeline_mode = #tpu.pipeline_mode<synchronous>, transform_indices = @transform_2, window_bounds = array<i64: 128, 128>}, {pipeline_mode = #tpu.pipeline_mode<synchronous>, transform_indices = @transform_3, window_bounds = array<i64: 1, 128>}, {transform_indices = @transform_4, window_bounds = array<i64: 1000, 128>}]} {
    %get3A = arith.constant 0 : index
    %get3A_0 = arith.constant 0 : index
    %get3A_1 = vector.load %arg1[%get3A, %get3A_0] : memref<1000x128xf32, #tpu.memory_space<vmem>>, vector<1000x128xf32>
    %get3A_2 = arith.constant 0 : index
    %get3A_3 = arith.constant 0 : index
    %get3A_4 = arith.constant 0 : index
    %get3A_5 = vector.load %arg2[%get3A_2, %get3A_3, %get3A_4] : memref<2x1000x128xf32, #tpu.memory_space<vmem>>, vector<1x1000x128xf32>
    %get3A_6 = vector.shape_cast %get3A_5 : vector<1x1000x128xf32> to vector<1000x128xf32>
    %add3A = arith.addf %get3A_1, %get3A_6 : vector<1000x128xf32>
    %get3A_7 = arith.constant 1 : index
    %get3A_8 = arith.constant 0 : index
    %get3A_9 = arith.constant 0 : index
    %get3A_10 = vector.load %arg2[%get3A_7, %get3A_8, %get3A_9] : memref<2x1000x128xf32, #tpu.memory_space<vmem>>, vector<1x1000x128xf32>
    %get3A_11 = vector.shape_cast %get3A_10 : vector<1x1000x128xf32> to vector<1000x128xf32>
    %add3A_12 = arith.addf %add3A, %get3A_11 : vector<1000x128xf32>
    %get3A_13 = arith.constant 0 : index
    %get3A_14 = arith.constant 0 : index
    %get3A_15 = vector.load %arg3[%get3A_13, %get3A_14] : memref<128x128xf32, #tpu.memory_space<vmem>>, vector<128x128xf32>
    %dot_general3A = arith.constant dense<0.000000e+00> : vector<1000x128xf32>
    %dot_general3A_16 = tpu.matmul %add3A_12, %get3A_15, %dot_general3A {dimension_numbers = #tpu.dot_dimension_numbers<[1], [0], [0], [1], [0, 0, 1, 1], [], []>, transpose_lhs_hint = false} : vector<1000x128xf32>, vector<128x128xf32>, vector<1000x128xf32> -> vector<1000x128xf32>
    %get3A_17 = arith.constant 0 : index
    %get3A_18 = arith.constant 0 : index
    %get3A_19 = vector.load %arg4[%get3A_17, %get3A_18] : memref<1x128xf32, #tpu.memory_space<vmem>>, vector<1x128xf32>
    %add3A_20 = vector.broadcast %get3A_19 : vector<1x128xf32> to vector<1000x128xf32>
    %add3A_21 = arith.addf %dot_general3A_16, %add3A_20 : vector<1000x128xf32>
    %swap3A = arith.constant 0 : index
    %swap3A_22 = arith.constant 0 : index
    %swap3A_23 = vector.load %arg5[%swap3A, %swap3A_22] : memref<1000x128xf32, #tpu.memory_space<vmem>>, vector<1000x128xf32>
    tpu.vector_store %arg5[%swap3A, %swap3A_22], %add3A_21 {strides = array<i32>} : memref<1000x128xf32, #tpu.memory_space<vmem>>, vector<1000x128xf32>,
    return
  }
  func.func @transform_0(%arg0: i32) -> (i32, i32) {
    %c0_i32 = arith.constant 0 : i32
    %c0_i32_0 = arith.constant 0 : i32
    return %arg0, %c0_i32 : i32, i32
  }
  func.func @transform_1(%arg0: i32) -> (i32, i32, i32) {
    %c0_i32 = arith.constant 0 : i32
    %c0_i32_0 = arith.constant 0 : i32
    %c0_i32_1 = arith.constant 0 : i32
    return %c0_i32, %arg0, %c0_i32_0 : i32, i32, i32
  }
  func.func @transform_2(%arg0: i32) -> (i32, i32) {
    %c0_i32 = arith.constant 0 : i32
    %c0_i32_0 = arith.constant 0 : i32
    %c0_i32_1 = arith.constant 0 : i32
    return %c0_i32, %c0_i32_0 : i32, i32
  }
  func.func @transform_3(%arg0: i32) -> (i32, i32) {
    %c0_i32 = arith.constant 0 : i32
    %c0_i32_0 = arith.constant 0 : i32
    %c0_i32_1 = arith.constant 0 : i32
    return %c0_i32, %c0_i32_0 : i32, i32
  }
  func.func @transform_4(%arg0: i32) -> (i32, i32) {
    %c0_i32 = arith.constant 0 : i32
    %c0_i32_0 = arith.constant 0 : i32
    return %arg0, %c0_i32 : i32, i32
  }
}

module attributes {stable_mosaic.version = 14 : i64} {
  func.func @_tc_out(%arg0: i32, %arg1: memref<1000x128xf32, #tpu.memory_space<vmem>>, %arg2: memref<2x1000x128xf32, #tpu.memory_space<vmem>>, %arg3: memref<128x128xf32, #tpu.memory_space<vmem>>, %arg4: memref<1x128xf32, #tpu.memory_space<vmem>>, %arg5: memref<128x128xf32, #tpu.memory_space<vmem>>, %arg6: memref<1x128xf32, #tpu.memory_space<vmem>>, %arg7: memref<1000x128xf32, #tpu.memory_space<vmem>>) attributes {dimension_semantics = [#tpu.dimension_semantics<arbitrary>], iteration_bounds = array<i64: 10>, scalar_prefetch = 0 : i64, scratch_operands = 0 : i64, tpu.core_type = #tpu.core_type<tc>, window_params = [{transform_indices = @transform_0, window_bounds = array<i64: 1000, 128>}, {transform_indices = @transform_1, window_bounds = array<i64: 2, 1000, 128>}, {pipeline_mode = #tpu.pipeline_mode<synchronous>, transform_indices = @transform_2, window_bounds = array<i64: 128, 128>}, {pipeline_mode = #tpu.pipeline_mode<synchronous>, transform_indices = @transform_3, window_bounds = array<i64: 1, 128>}, {pipeline_mode = #tpu.pipeline_mode<synchronous>, transform_indices = @transform_4, window_bounds = array<i64: 128, 128>}, {pipeline_mode = #tpu.pipeline_mode<synchronous>, transform_indices = @transform_5, window_bounds = array<i64: 1, 128>}, {transform_indices = @transform_6, window_bounds = array<i64: 1000, 128>}]} {
    %get3A = arith.constant 0 : index
    %get3A_0 = arith.constant 0 : index
    %get3A_1 = vector.load %arg1[%get3A, %get3A_0] : memref<1000x128xf32, #tpu.memory_space<vmem>>, vector<1000x128xf32>
    %get3A_2 = arith.constant 0 : index
    %get3A_3 = arith.constant 0 : index
    %get3A_4 = arith.constant 0 : index
    %get3A_5 = vector.load %arg2[%get3A_2, %get3A_3, %get3A_4] : memref<2x1000x128xf32, #tpu.memory_space<vmem>>, vector<1x1000x128xf32>
    %get3A_6 = vector.shape_cast %get3A_5 : vector<1x1000x128xf32> to vector<1000x128xf32>
    %add3A = arith.addf %get3A_1, %get3A_6 : vector<1000x128xf32>
    %get3A_7 = arith.constant 1 : index
    %get3A_8 = arith.constant 0 : index
    %get3A_9 = arith.constant 0 : index
    %get3A_10 = vector.load %arg2[%get3A_7, %get3A_8, %get3A_9] : memref<2x1000x128xf32, #tpu.memory_space<vmem>>, vector<1x1000x128xf32>
    %get3A_11 = vector.shape_cast %get3A_10 : vector<1x1000x128xf32> to vector<1000x128xf32>
    %add3A_12 = arith.addf %add3A, %get3A_11 : vector<1000x128xf32>
    %get3A_13 = arith.constant 0 : index
    %get3A_14 = arith.constant 0 : index
    %get3A_15 = vector.load %arg3[%get3A_13, %get3A_14] : memref<128x128xf32, #tpu.memory_space<vmem>>, vector<128x128xf32>
    %dot_general3A = arith.constant dense<0.000000e+00> : vector<1000x128xf32>
    %dot_general3A_16 = tpu.matmul %add3A_12, %get3A_15, %dot_general3A {dimension_numbers = #tpu.dot_dimension_numbers<[1], [0], [0], [1], [0, 0, 1, 1], [], []>, transpose_lhs_hint = false} : vector<1000x128xf32>, vector<128x128xf32>, vector<1000x128xf32> -> vector<1000x128xf32>
    %get3A_17 = arith.constant 0 : index
    %get3A_18 = arith.constant 0 : index
    %get3A_19 = vector.load %arg4[%get3A_17, %get3A_18] : memref<1x128xf32, #tpu.memory_space<vmem>>, vector<1x128xf32>
    %add3A_20 = vector.broadcast %get3A_19 : vector<1x128xf32> to vector<1000x128xf32>
    %add3A_21 = arith.addf %dot_general3A_16, %add3A_20 : vector<1000x128xf32>
    %get3A_22 = arith.constant 0 : index
    %get3A_23 = arith.constant 0 : index
    %get3A_24 = vector.load %arg5[%get3A_22, %get3A_23] : memref<128x128xf32, #tpu.memory_space<vmem>>, vector<128x128xf32>
    %dot_general3A_25 = arith.constant dense<0.000000e+00> : vector<1000x128xf32>
    %dot_general3A_26 = tpu.matmul %add3A_21, %get3A_24, %dot_general3A_25 {dimension_numbers = #tpu.dot_dimension_numbers<[1], [0], [0], [1], [0, 0, 1, 1], [], []>, transpose_lhs_hint = false} : vector<1000x128xf32>, vector<128x128xf32>, vector<1000x128xf32> -> vector<1000x128xf32>
    %get3A_27 = arith.constant 0 : index
    %get3A_28 = arith.constant 0 : index
    %get3A_29 = vector.load %arg6[%get3A_27, %get3A_28] : memref<1x128xf32, #tpu.memory_space<vmem>>, vector<1x128xf32>
    %add3A_30 = vector.broadcast %get3A_29 : vector<1x128xf32> to vector<1000x128xf32>
    %add3A_31 = arith.addf %dot_general3A_26, %add3A_30 : vector<1000x128xf32>
    %swap3A = arith.constant 0 : index
    %swap3A_32 = arith.constant 0 : index
    %swap3A_33 = vector.load %arg7[%swap3A, %swap3A_32] : memref<1000x128xf32, #tpu.memory_space<vmem>>, vector<1000x128xf32>
    tpu.vector_store %arg7[%swap3A, %swap3A_32], %add3A_31 {strides = array<i32>} : memref<1000x128xf32, #tpu.memory_space<vmem>>, vector<1000x128xf32>,
    return
  }
  func.func @transform_0(%arg0: i32) -> (i32, i32) {
    %c0_i32 = arith.constant 0 : i32
    %c0_i32_0 = arith.constant 0 : i32
    return %arg0, %c0_i32 : i32, i32
  }
  func.func @transform_1(%arg0: i32) -> (i32, i32, i32) {
    %c0_i32 = arith.constant 0 : i32
    %c0_i32_0 = arith.constant 0 : i32
    %c0_i32_1 = arith.constant 0 : i32
    return %c0_i32, %arg0, %c0_i32_0 : i32, i32, i32
  }
  func.func @transform_2(%arg0: i32) -> (i32, i32) {
    %c0_i32 = arith.constant 0 : i32
    %c0_i32_0 = arith.constant 0 : i32
    %c0_i32_1 = arith.constant 0 : i32
    return %c0_i32, %c0_i32_0 : i32, i32
  }
  func.func @transform_3(%arg0: i32) -> (i32, i32) {
    %c0_i32 = arith.constant 0 : i32
    %c0_i32_0 = arith.constant 0 : i32
    %c0_i32_1 = arith.constant 0 : i32
    return %c0_i32, %c0_i32_0 : i32, i32
  }
  func.func @transform_4(%arg0: i32) -> (i32, i32) {
    %c0_i32 = arith.constant 0 : i32
    %c0_i32_0 = arith.constant 0 : i32
    %c0_i32_1 = arith.constant 0 : i32
    return %c0_i32, %c0_i32_0 : i32, i32
  }
  func.func @transform_5(%arg0: i32) -> (i32, i32) {
    %c0_i32 = arith.constant 0 : i32
    %c0_i32_0 = arith.constant 0 : i32
    %c0_i32_1 = arith.constant 0 : i32
    return %c0_i32, %c0_i32_0 : i32, i32
  }
  func.func @transform_6(%arg0: i32) -> (i32, i32) {
    %c0_i32 = arith.constant 0 : i32
    %c0_i32_0 = arith.constant 0 : i32
    return %arg0, %c0_i32 : i32, i32
  }
}

</mosaic_0001>

<sc_bundles>
// kernel: kernel.10.cloned.1.call-start
scs
__scs_entry_jumppad:
0x0: {  	(pc) =	sbr.rel $0x88, $3  }
0x1: {  	(tag) =	ssettag $0x0;
	lr =	simm.s32 $0x1  }
0x2: {  	[smem:$0x3F97] =	sst lr;
	_ =	strace $0xD0000000  }
0x3: {  	_ = 	snop  }
0x4: {  	_ = 	snop  }
0x5: {  	_ = 	snop  }
0x6: {  	_ = 	snop  }
0x7: {  	_ = 	snop  }
__scs_overlays_trampoline_lowered:
0x8: {  	[smem:$0x3FA6] =	sst s0  }
0x9: {  	[smem:$0x3FA7] =	sst s1  }
0xa: {  	[smem:$0x3FA8] =	sst s2  }
0xb: {  	[smem:$0x3FA9] =	sst s3  }
0xc: {  	[smem:$0x3FAA] =	sst s4  }
0xd: {  	[smem:$0x3FAB] =	sst s5  }
0xe: {  	[smem:$0x3FAC] =	sst s6  }
0xf: {  	[smem:$0x3FAD] =	sst s7  }
0x10: {  	[smem:$0x3FAE] =	sst s8  }
0x11: {  	[smem:$0x3FAF] =	sst s9;
	s0 =	simm.s32 @!p0 $0x0  }
0x12: {  	s1 =	sld [smem:$0x3F95];
	s0 =	simm.s32 @p0 $0x1  }
0x13: {  	[smem:$0x3FB0] =	sst s0;
	s0 =	simm.s32 @!p1 $0x0  }
0x14: {  	s2 =	sld [smem:$0x3F94];
	s0 =	simm.s32 @p1 $0x1  }
0x15: {  	[smem:$0x3FB1] =	sst s0;
	s0 =	simm.s32 @!p2 $0x0  }
0x16: {  	s3 =	sld [smem:$0x3FDB];
	s0 =	simm.s32 @p2 $0x1  }
0x17: {  	s4 =	simm.s32 $0x1BF5;
	[smem:$0x3FB3] =	sst s0  }
0x18: {  	s0 =	sld [smem:$0x3F96];
	_ =	swait.ge [sflag:s4], $0x0  }
0x19: {  	s7 =	sld [smem:$0x3F97]  }
0x1a: {  	s8 =	sadd.s32 $0xFFFFE003, lr  }
0x1b: {  	s9 =	sadd.s32 $0xFFFFFEF7, lr;
	s5 =	simm.s32 $0xFFFFFFFF;
	p2 =	slt.u32 s8, $0xFFFFF086  }
0x1c: {  	p1 =	slt.u32 s9, $0xF7A;
	s5 =	simm.s32 @!p2 $0x0  }
0x1d: {  	s5 =	simm.s32 @p1 $0x1;
	p0 =	seq.s32 s7, s2  }
0x1e: {  	s7 =	smul.u32 @!p0 $0xF7A, s2;
	p2 =	seq.s32 @!p0 s5, $0x0  }
0x1f: {  	s9 =	smul.u32 $0xF7A, s1;
	s8 =	simm.s32 @!p0 $0x1BF5;
	p2 =	por !p2, p0  }
0x20: {  	[sflag:s8] =	ssyncset.s32 @!p0 $0xFFFFF086;
	s6 =	sadd.s32 @!p0 s3, s7;
	s7 =	simm.s32 @!p0 $0x108  }
0x21: {  	s3 =	sadd.s32 s3, s9;
	s6 =	sadd.s32 @!p0 $0x88, s6;
	s7 =	simm.s32 @p2 $0x1082  }
0x22: {  	[simem:s7], [sflag:s8] =	dma.local @!p0 [hbm:s6], $0xF7A  }
0x23: {  	s9 =	sor.u32 $0xD0000000, s2;
	s6 =	simm.s32 $0x108;
	_ =	swait.ge @!p0 [sflag:s8], $0x0  }
0x24: {  	s3 =	sadd.s32 $0x88, s3;
	s6 =	simm.s32 @!p1 $0x1082;
	[sflag:s4] =	ssyncset.s32 $0xFFFFF086  }
0x25: {  	[simem:s6], [sflag:s4] =	dma.local [hbm:s3], $0xF7A  }
0x26: {  	[smem:$0x3F97] =	sst s1;
	(tag) =	ssettag s2;
	_ =	strace s9  }
0x27: {  	s1 =	sld [smem:$0x3FA7]  }
0x28: {  	s2 =	sld [smem:$0x3FA8]  }
0x29: {  	s4 =	sld [smem:$0x3FAA]  }
0x2a: {  	p0 =	seq.s32 s5, $0x0;
	s5 =	sld [smem:$0x3FAB]  }
0x2b: {  	s6 =	sld [smem:$0x3FAC]  }
0x2c: {  	s7 =	sld [smem:$0x3FAD]  }
0x2d: {  	s3 =	simm.s32 $0x108;
	s8 =	sld [smem:$0x3FAE]  }
0x2e: {  	s3 =	simm.s32 @!p0 $0x1082;
	s9 =	sld [smem:$0x3FAF]  }
0x2f: {  	lr =	sadd.s32 s0, s3;
	s0 =	sld [smem:$0x3FA6]  }
0x30: {  	s3 =	sld [smem:$0x3FA9]  }
0x31: {  	[smem:$0x3FB2] =	sst s10  }
0x32: {  	s10 =	sld [smem:$0x3FB0];
	_ =	sdelay $0x3  }
0x33: {  	p0 =	seq.s32 s10, $0x1;
	s10 =	sld [smem:$0x3FB2];
	_ =	sdelay $0x3  }
0x34: {  	[smem:$0x3FB2] =	sst s10  }
0x35: {  	s10 =	sld [smem:$0x3FB1];
	_ =	sdelay $0x3  }
0x36: {  	p1 =	seq.s32 s10, $0x1;
	s10 =	sld [smem:$0x3FB2];
	_ =	sdelay $0x3  }
0x37: {  	[smem:$0x3FB2] =	sst s10  }
0x38: {  	s10 =	sld [smem:$0x3FB3]  }
0x39: {  	_ = 	snop;
	(pc) =	sbr.ind lr, $3  }
0x3a: {  	_ = 	snop  }
0x3b: {  	_ = 	snop  }
0x3c: {  	p2 =	seq.s32 s10, $0x1;
	s10 =	sld [smem:$0x3FB2]  }
0x3d: {  	_ =	shalt  }
0x3e: {  	_ =	shalt  }
0x3f: {  	_ =	shalt  }
0x40: {  	_ =	shalt  }
0x41: {  	_ =	shalt  }
0x42: {  	_ =	shalt  }
0x43: {  	_ =	shalt  }
0x44: {  	_ =	shalt  }
0x45: {  	_ =	shalt  }
0x46: {  	_ =	shalt  }
0x47: {  	_ =	shalt  }
0x48: {  	_ =	shalt  }
0x49: {  	_ =	shalt  }
0x4a: {  	_ =	shalt  }
0x4b: {  	_ =	shalt  }
0x4c: {  	_ =	shalt  }
0x4d: {  	_ =	shalt  }
0x4e: {  	_ =	shalt  }
0x4f: {  	_ =	shalt  }
0x50: {  	_ =	shalt  }
0x51: {  	_ =	shalt  }
0x52: {  	_ =	shalt  }
0x53: {  	_ =	shalt  }
0x54: {  	_ =	shalt  }
0x55: {  	_ =	shalt  }
0x56: {  	_ =	shalt  }
0x57: {  	_ =	shalt  }
0x58: {  	_ =	shalt  }
0x59: {  	_ =	shalt  }
0x5a: {  	_ =	shalt  }
0x5b: {  	_ =	shalt  }
0x5c: {  	_ =	shalt  }
0x5d: {  	_ =	shalt  }
0x5e: {  	_ =	shalt  }
0x5f: {  	_ =	shalt  }
0x60: {  	_ =	shalt  }
0x61: {  	_ =	shalt  }
0x62: {  	_ =	shalt  }
0x63: {  	_ =	shalt  }
0x64: {  	_ =	shalt  }
0x65: {  	_ =	shalt  }
0x66: {  	_ =	shalt  }
0x67: {  	_ =	shalt  }
0x68: {  	_ =	shalt  }
0x69: {  	_ =	shalt  }
0x6a: {  	_ =	shalt  }
0x6b: {  	_ =	shalt  }
0x6c: {  	_ =	shalt  }
0x6d: {  	_ =	shalt  }
0x6e: {  	_ =	shalt  }
0x6f: {  	_ =	shalt  }
0x70: {  	_ =	shalt  }
0x71: {  	_ =	shalt  }
0x72: {  	_ =	shalt  }
0x73: {  	_ =	shalt  }
0x74: {  	_ =	shalt  }
0x75: {  	_ =	shalt  }
0x76: {  	_ =	shalt  }
0x77: {  	_ =	shalt  }
0x78: {  	_ =	shalt  }
0x79: {  	_ =	shalt  }
0x7a: {  	_ =	shalt  }
0x7b: {  	_ =	shalt  }
0x7c: {  	_ =	shalt  }
0x7d: {  	_ =	shalt  }
0x7e: {  	_ =	shalt  }
0x7f: {  	_ =	shalt  }
0x80: {  	_ =	shalt  }
0x81: {  	_ =	shalt  }
0x82: {  	_ =	shalt  }
0x83: {  	_ =	shalt  }
0x84: {  	_ =	shalt  }
0x85: {  	_ =	shalt  }
0x86: {  	_ =	shalt  }
0x87: {  	_ =	shalt  }
.Lfunc_end0:
.L_simem_size_0:
called_computation.1_lowered:
.L_overlay_start_0:
0x88: {  	s2 =	sld [smem:$0x3FD9]  }
0x89: {  	s3 =	sld [smem:$0x3FFE];
	_ =	sdelay $0x1  }
0x8a: {  	s1 =	srdreg.scid  }
0x8b: {  	s0 =	sand.u32 $0x1, s1  }
0x8c: {  	s16 =	sshll.u32 s0, $0xA;
	s2 =	sadd.s32 s3, s2  }
0x8d: {  	s2 =	sadd.s32 s2, s16  }
0x8e: {  	[smem:$0x3FBE] =	sst s2  }
0x8f: {  	_ = 	snop  }
0x90: {  	(tm) =	ssettm $0x1  }
0x91: {  	s17 =	sld [smem:$0x3FFB];
	_ =	sdelay $0x3  }
0x92: {  	_ =	strace s17  }
0x93: {  	s2 =	sld [smem:$0x3FFC];
	_ =	sdelay $0x3  }
0x94: {  	_ =	strace s2  }
0x95: {  	s2 =	sld [smem:$0x3FFD];
	_ =	sdelay $0x3  }
0x96: {  	_ =	strace s2  }
0x97: {  	_ =	strace $0x8FFFFFFF  }
0x98: {  	s18 =	sld [smem:$0x3FDB];
	_ =	sdelay $0x1  }
0x99: {  	s19 =	simm.s32 $_scs_section_size  }
0x9a: {  	s4 =	simm.s32 $_size__tile_overlayer_lowered;
	s5 =	simm.s32 $_tile_overlayer_lowered  }
0x9b: {  	s22 =	simm.s32 $0x1BFF;
	s21 =	sshll.u32 s5, $0x1;
	s2 =	sadd.s32 s19, s18  }
0x9c: {  	s6 =	simm.s32 $0x0;
	s20 =	sshll.u32 s4, $0x1;
	s4 =	sadd.s32 s21, s2  }
0x9d: {  	[timem:s6], [sflag:s22] =	dma.local [hbm:s4], s20  }
0x9e: {  	_ =	swait.ge [sflag:s22], s20  }
0x9f: {  	s3 =	ssub.s32 $0x0, s20;
	[sflag:s22] =	ssyncset.done $0x0  }
0xa0: {  	[sflag:s22] =	ssyncadd.s32 s3;
	_ =	sdelay $0x1  }
0xa1: {  	s23 =	simm.s32 $0x1B8B  }
0xa2: {  	_ =	swait.ge [sflag:s23], $0x1  }
0xa3: {  	[sflag:s23] =	ssyncset.done $0x0  }
0xa4: {  	s25 =	simm.s32 $0x1B8E;
	s24 =	sld [smem:$0x3FFE];
	[sflag:s23] =	ssyncadd.s32 $0xFFFFFFFF  }
0xa5: {  	s26 =	simm.s32 $execute0_lowered;
	[smem:$0x3FD2] =	sst s25  }
0xa6: {  	s4 =	sshll.u32 s26, $0x1;
	_ =	strace $0x80000049;
	[dreg:$0x1] =	wrdreg $0xFFFFFFFF  }
0xa7: {  	s28 =	simm.s32 $_size_execute0_lowered;
	s2 =	sadd.s32 s2, s4;
	[dreg:$0x0] =	wrdreg $0x0  }
0xa8: {  	s4 =	sshll.u32 s28, $0x1;
	[dreg:$0x2] =	wrdreg s2  }
0xa9: {  	[dreg:$0x3] =	wrdreg s4  }
0xaa: {  	[dreg:$0x4] =	wrdreg $0xC0  }
0xab: {  	_ =	task [dreg:s6], $0x5FFFF  }
0xac: {  	[dreg:$0x1] =	wrdreg $0xFFFFFFFF  }
0xad: {  	[dreg:$0x0] =	wrdreg $0x60  }
0xae: {  	[dreg:$0x2] =	wrdreg s24  }
0xaf: {  	[dreg:$0x3] =	wrdreg $0xBEC00  }
0xb0: {  	[dreg:$0x4] =	wrdreg $0x9  }
0xb1: {  	_ =	task.clear_ibuf [dreg:s6], $0x5FFFF;
	_ =	strace $0x90000049  }
0xb2: {  	s29 =	simm.s32 $0x9;
	_ =	strace $0x8000004B  }
0xb3: {  	_ =	swait.ge [sflag:s29], $0x1  }
0xb4: {  	[sflag:s29] =	ssyncadd.s32 $0xFFFFFFFF  }
0xb5: {  	_ =	strace $0x9000004B  }
0xb6: {  	_ =	sfence  }
0xb7: {  	s30 =	sld [smem:$0x0];
	_ =	sdelay $0x2  }
0xb8: {  	s31 =	sshll.u32 s1, $0xD;
	s1 =	sshrl.u32 s1, $0x2  }
0xb9: {  	s3 =	sand.u32 $0x4000, s31;
	s1 =	sadd.s32 s1, s30  }
0xba: {  	s0 =	sor.u32 s3, s0;
	s1 =	sshll.u32 s1, $0x11  }
0xbb: {  	s0 =	sor.u32 s1, s0  }
0xbc: {  	s0 =	sadd.s32 $0x8F2B, s0  }
0xbd: {  	[sflag:s0] =	ssyncadd.remote.s32 $0x1  }
0xbe: {  	_ =	sfence.sel $0xFFFF  }
0xbf: {  	[dreg:$0x0] =	wrdreg $0xFFFFFFFF;
	(pc) =	sbr.abs _section_cstart, $3  }
0xc0: {  	[dreg:$0x1] =	wrdreg $0xFFFFFFFF  }
0xc1: {  	_ =	task.clear_ibuf [dreg:s6], $0x2FFFF;
	_ =	strace $0x9FFFFFFF  }
0xc2: {  	(tm) =	ssettm $0x7FFFFFFF  }
0xc3: {  	_ =	shalt  }
tec
execute0_lowered:
.L_overlay_start_1:
0x0: {  	(tag) =	ssettag $0x1  }
0x1: {  	s6 =	rddreg [dreg:$0x0]  }
0x2: {  	s0 =	srdreg.scid;
	s2 =	rddreg [dreg:$0x1]  }
0x3: {  	s1 =	rddreg [dreg:$0x2];
	s3 =	simm.s32 $0x0;
	s14 =	simm.s32 $0x70  }
0x4: {  	s15 =	simm.s32 $0x4EC0;
	s16 =	simm.s32 $0x86C0;
	s5 =	sand.u32 $0x1, s0  }
0x5: {  	s17 =	simm.s32 $0x1;
	s0 =	stileid.u32;
	s7 =	smul.u32 $0x27600, s5  }
0x6: {  	s18 =	simm.s32 $0x2;
	s19 =	simm.s32 $0x4DE0;
	s8 =	smul.u32 $0x2760, s0  }
0x7: {  	s20 =	simm.s32 $0x4E50;
	s21 =	simm.s32 $0x0;
	s9 =	smul.u32 $0x13C00, s0  }
0x8: {  	[smem:$0x7FF] =	sst s3;
	s4 =	sadd.s32 $0x16600, s6;
	s10 =	smul.u32 $0x13C000, s5  }
0x9: {  	_ =	strace $0x8000004A;
	s31 =	ssub.s32 $0x2, s5;
	s12 =	sshll.u32 s0, $0x6  }
0xa: {  	s5 =	sadd.s32 $0x3D800, s6;
	s11 =	sshrl.u32 s31, $0x1;
	s12 =	sor.u32 $0x1C03, s12  }
0xb: {  	s7 =	sadd.s32 s8, s7;
	s30 =	sadd.s32 s9, s10;
	s10 =	ssub.s32 s31, s11  }
0xc: {  	s13 =	sadd.s32 s9, s2;
	s11 =	simm.s32 $0x2760;
	s7 =	sshrl.u32 s7, $0x3  }
0xd: {  	s8 =	sshrl.u32 s30, $0x3;
	s9 =	smax.u32 s10, $0x1;
	s10 =	simm.s32 $0x3  }
0xe: {  	s13 =	sshrl.u32 s13, $0x3;
	s7 =	sadd.s32 s7, s6;
	s8 =	sadd.s32 s8, s6  }
0xf: {  	s6 =	sadd.s32 $0xC800, s7;
	s7 =	sadd.s32 $0x2A00, s7;
	s8 =	sadd.s32 $0x40000, s8  }
.LBB2_1:
0x10: {  	[tilespmem:s3], [sflag:$0x3] =	stream.linear.gather [hbm4b:s6+s3], $0x2760, $0x38;
	[tilespmem:$0x1FAC0] =	vst v63  }
0x11: {  	_ =	swait.ge [sflag:s10], $0x2760  }
0x12: {  	[sflag:s10] =	ssyncset.done $0x0  }
0x13: {  	[sflag:s10] =	ssyncadd.s32 $0xFFFFD8A0  }
0x14: {  	[tilespmem:s11], [sflag:$0x3] =	stream.linear.gather [hbm4b:s7+s3], $0x2760, $0x38;
	[tilespmem:$0x1FAC0] =	vst v63  }
0x15: {  	_ =	swait.ge [sflag:s10], $0x2760  }
0x16: {  	[sflag:s10] =	ssyncset.done $0x0  }
0x17: {  	[sflag:s10] =	ssyncadd.s32 $0xFFFFD8A0  }
0x18: {  	[spmem:s13], [sflag:s12] =	dma.local [hbm:s5], $0x2780  }
0x19: {  	_ =	swait.ge [sflag:s10], $0x2780  }
0x1a: {  	[sflag:s10] =	ssyncset.done $0x0  }
0x1b: {  	[sflag:s10] =	ssyncadd.s32 $0xFFFFD880  }
0x1c: {  	[bflag:$0x0] =	sbarrier.arrive $0xFFFF  }
0x1d: {  	[tilespmem:s15], [sflag:$0x1] =	stream.indirect.gather [hbm4b:s4+s14], $0x80, s3, s14, $0xb8;
	[tilespmem:$0x1FAC0] =	vst v63  }
0x1e: {  	_ = 	snop  }
0x1f: {  	[tilespmem:s16], [sflag:$0x2] =	stream.indirect.gather [hbm4b:s4+s14], $0x80, s14, s14, $0xb8;
	[tilespmem:$0x1FAC0] =	vst v63  }
0x20: {  	_ =	swait.ge [sflag:s17], $0x3800  }
0x21: {  	[sflag:s17] =	ssyncset.done $0x0  }
0x22: {  	s22 =	simm.s32 $0x2760;
	[sflag:s17] =	ssyncadd.s32 $0xFFFFC800  }
0x23: {  	[spmem:s2] =	stream.indirect.scatter.add.f32 [tilespmem:s15], [sflag:$0x3], $0x80, s22, s14, $0xb8;
	[tilespmem:$0x1FAC0] =	vst v63  }
0x24: {  	_ =	swait.ge [sflag:s10], $0x3800  }
0x25: {  	[sflag:s10] =	ssyncset.done $0x0  }
0x26: {  	s30 =	simm.s32 $0xE0;
	[sflag:s10] =	ssyncadd.s32 $0xFFFFC800  }
0x27: {  	[tilespmem:s15], [sflag:$0x1] =	stream.indirect.gather [hbm4b:s4+s14], $0x80, s30, s14, $0xb8;
	[tilespmem:$0x1FAC0] =	vst v63  }
0x28: {  	_ =	swait.ge [sflag:s18], $0x3800  }
0x29: {  	[sflag:s18] =	ssyncset.done $0x0  }
0x2a: {  	s31 =	simm.s32 $0x27D0;
	[sflag:s18] =	ssyncadd.s32 $0xFFFFC800  }
0x2b: {  	[spmem:s2] =	stream.indirect.scatter.add.f32 [tilespmem:s16], [sflag:$0x3], $0x80, s31, s14, $0xb8;
	[tilespmem:$0x1FAC0] =	vst v63  }
0x2c: {  	_ =	swait.ge [sflag:s10], $0x3800  }
0x2d: {  	[sflag:s10] =	ssyncset.done $0x0  }
0x2e: {  	s23 =	simm.s32 $0x150;
	s22 =	simm.s32 $0x380;
	[sflag:s10] =	ssyncadd.s32 $0xFFFFC800  }
.LBB2_2:
0x2f: {  	[tilespmem:s16], [sflag:$0x2] =	stream.indirect.gather [hbm4b:s4+s14], $0x80, s23, s14, $0xb8;
	[tilespmem:$0x1FAC0] =	vst v63  }
0x30: {  	s23 =	smov.u32 s22  }
0x31: {  	p0 =	sne.s32 s22, $0x9680;
	s22 =	sadd.s32 $0x380, s22;
	_ =	swait.ge [sflag:s17], $0x3800  }
0x32: {  	s23 =	sshra.s32 s23, $0x2;
	[sflag:s17] =	ssyncset.done $0x0  }
0x33: {  	s24 =	sadd.s32 $0x2760, s23;
	[sflag:s17] =	ssyncadd.s32 $0xFFFFC800  }
0x34: {  	[spmem:s2] =	stream.indirect.scatter.add.f32 [tilespmem:s15], [sflag:$0x3], $0x80, s24, s14, $0xb8;
	[tilespmem:$0x1FAC0] =	vst v63  }
0x35: {  	_ =	swait.ge [sflag:s10], $0x3800  }
0x36: {  	[sflag:s10] =	ssyncset.done $0x0  }
0x37: {  	s24 =	sadd.s32 $0xE0, s23;
	[sflag:s10] =	ssyncadd.s32 $0xFFFFC800  }
0x38: {  	[tilespmem:s15], [sflag:$0x1] =	stream.indirect.gather [hbm4b:s4+s14], $0x80, s24, s14, $0xb8;
	[tilespmem:$0x1FAC0] =	vst v63  }
0x39: {  	_ =	swait.ge [sflag:s18], $0x3800  }
0x3a: {  	[sflag:s18] =	ssyncset.done $0x0  }
.Ltmp0:
0x3b: {  	s24 =	sadd.s32 $0x27D0, s23;
	[sflag:s18] =	ssyncadd.s32 $0xFFFFC800;
	(pc) =	sbr.rel @p0 .LBB2_2-.Ltmp0, $4  }
0x3c: {  	[spmem:s2] =	stream.indirect.scatter.add.f32 [tilespmem:s16], [sflag:$0x3], $0x80, s24, s14, $0xb8;
	[tilespmem:$0x1FAC0] =	vst v63  }
0x3d: {  	_ =	swait.ge [sflag:s10], $0x3800  }
0x3e: {  	[sflag:s10] =	ssyncset.done $0x0  }
0x3f: {  	s23 =	sadd.s32 $0x150, s23;
	[sflag:s10] =	ssyncadd.s32 $0xFFFFC800  }
0x40: {  	[tilespmem:s16], [sflag:$0x2] =	stream.indirect.gather [hbm4b:s4+s14], $0x80, s23, s14, $0xb8;
	[tilespmem:$0x1FAC0] =	vst v63  }
0x41: {  	_ =	swait.ge [sflag:s17], $0x3800  }
0x42: {  	[sflag:s17] =	ssyncset.done $0x0  }
0x43: {  	[sflag:s17] =	ssyncadd.s32 $0xFFFFC800  }
0x44: {  	[spmem:s2] =	stream.indirect.scatter.add.f32 [tilespmem:s15], [sflag:$0x3], $0x80, s19, s14, $0xb8;
	[tilespmem:$0x1FAC0] =	vst v63  }
0x45: {  	_ =	swait.ge [sflag:s10], $0x3800  }
0x46: {  	[sflag:s10] =	ssyncset.done $0x0  }
0x47: {  	[sflag:s10] =	ssyncadd.s32 $0xFFFFC800  }
0x48: {  	_ =	swait.ge [sflag:s18], $0x3800  }
0x49: {  	[sflag:s18] =	ssyncset.done $0x0  }
0x4a: {  	[sflag:s18] =	ssyncadd.s32 $0xFFFFC800  }
0x4b: {  	[spmem:s2] =	stream.indirect.scatter.add.f32 [tilespmem:s16], [sflag:$0x3], $0x80, s20, s14, $0xb8;
	[tilespmem:$0x1FAC0] =	vst v63  }
0x4c: {  	_ =	swait.ge [sflag:s10], $0x3800  }
0x4d: {  	s21 =	sadd.s32 $0x1, s21;
	[sflag:s10] =	ssyncset.done $0x0  }
0x4e: {  	p0 =	sne.s32 s21, s9;
	[sflag:s10] =	ssyncadd.s32 $0xFFFFC800  }
.Ltmp1:
0x4f: {  	[bflag:$0x0] =	sbarrier.arrive $0xFFFF;
	(pc) =	sbr.rel @p0 .LBB2_1-.Ltmp1, $4  }
0x50: {  	[hbm:s8], [sflag:s12] =	dma.local [spmem:s13], $0x2780  }
0x51: {  	_ =	swait.ge [sflag:s10], $0x2780  }
0x52: {  	[sflag:s10] =	ssyncset.done $0x0  }
0x53: {  	[sflag:s10] =	ssyncadd.s32 $0xFFFFD880  }
0x54: {  	_ =	sfence.sel $0x180000  }
0x55: {  	[bflag:$0x0] =	sbarrier.arrive $0xFFFF  }
0x56: {  	p0 =	sne.s32 s0, $0x0;
	_ =	strace $0x9000004A  }
0x57: {  	s0 =	sadd.s32 @!p0 $0x100000, s1;
	[bflag:$0x2] =	sbarrier.arrive $0xFFFF  }
0x58: {  	[sflag:s0] =	ssyncadd.tile.s32 @!p0 $0x1;
	_ =	shalt  }
.Lfunc_end2:
_tile_overlayer_lowered:
.L_overlay_start_2:
0x59: {  	(tag) =	ssettag $0x2  }
0x5a: {  	s0 =	rddreg [dreg:$0x0];
	s2 =	stileid.u32  }
0x5b: {  	s1 =	rddreg [dreg:$0x1];
	p0 =	sne.s32 s2, $0x0  }
0x5c: {  	s3 =	rddreg [dreg:$0x2];
	[bflag:$0x3] =	sbarrier.arrive $0xFFFF;
	s2 =	simm.s32 @!p0 $0x1C03  }
0x5d: {  	[timem:s3], [sflag:s2] =	dma.local @!p0 [hbm:s0], s1  }
0x5e: {  	s0 =	simm.s32 @!p0 $0x3  }
0x5f: {  	_ =	swait.ge @!p0 [sflag:s0], s1  }
0x60: {  	s1 =	ssub.s32 @!p0 $0x0, s1;
	[sflag:s0] =	ssyncset.done @!p0 $0x0  }
0x61: {  	[sflag:s0] =	ssyncadd.s32 @!p0 s1  }
0x62: {  	[bflag:$0x3] =	sbarrier.arrive $0xFFFF  }
0x63: {  	_ =	shalt  }

// kernel: kernel.7.cloned.1.call-start
scs
__scs_entry_jumppad:
0x0: {  	(pc) =	sbr.rel $0x88, $3  }
0x1: {  	(tag) =	ssettag $0x0;
	lr =	simm.s32 $0x1  }
0x2: {  	[smem:$0x3F97] =	sst lr;
	_ =	strace $0xD0000000  }
0x3: {  	_ = 	snop  }
0x4: {  	_ = 	snop  }
0x5: {  	_ = 	snop  }
0x6: {  	_ = 	snop  }
0x7: {  	_ = 	snop  }
__scs_overlays_trampoline_lowered:
0x8: {  	[smem:$0x3FA6] =	sst s0  }
0x9: {  	[smem:$0x3FA7] =	sst s1  }
0xa: {  	[smem:$0x3FA8] =	sst s2  }
0xb: {  	[smem:$0x3FA9] =	sst s3  }
0xc: {  	[smem:$0x3FAA] =	sst s4  }
0xd: {  	[smem:$0x3FAB] =	sst s5  }
0xe: {  	[smem:$0x3FAC] =	sst s6  }
0xf: {  	[smem:$0x3FAD] =	sst s7  }
0x10: {  	[smem:$0x3FAE] =	sst s8  }
0x11: {  	[smem:$0x3FAF] =	sst s9;
	s0 =	simm.s32 @!p0 $0x0  }
0x12: {  	s1 =	sld [smem:$0x3F95];
	s0 =	simm.s32 @p0 $0x1  }
0x13: {  	[smem:$0x3FB0] =	sst s0;
	s0 =	simm.s32 @!p1 $0x0  }
0x14: {  	s2 =	sld [smem:$0x3F94];
	s0 =	simm.s32 @p1 $0x1  }
0x15: {  	[smem:$0x3FB1] =	sst s0;
	s0 =	simm.s32 @!p2 $0x0  }
0x16: {  	s3 =	sld [smem:$0x3FDB];
	s0 =	simm.s32 @p2 $0x1  }
0x17: {  	s4 =	simm.s32 $0x1BF5;
	[smem:$0x3FB3] =	sst s0  }
0x18: {  	s0 =	sld [smem:$0x3F96];
	_ =	swait.ge [sflag:s4], $0x0  }
0x19: {  	s7 =	sld [smem:$0x3F97]  }
0x1a: {  	s8 =	sadd.s32 $0xFFFFE003, lr  }
0x1b: {  	s9 =	sadd.s32 $0xFFFFFEF7, lr;
	s5 =	simm.s32 $0xFFFFFFFF;
	p2 =	slt.u32 s8, $0xFFFFF086  }
0x1c: {  	p1 =	slt.u32 s9, $0xF7A;
	s5 =	simm.s32 @!p2 $0x0  }
0x1d: {  	s5 =	simm.s32 @p1 $0x1;
	p0 =	seq.s32 s7, s2  }
0x1e: {  	s7 =	smul.u32 @!p0 $0xF7A, s2;
	p2 =	seq.s32 @!p0 s5, $0x0  }
0x1f: {  	s9 =	smul.u32 $0xF7A, s1;
	s8 =	simm.s32 @!p0 $0x1BF5;
	p2 =	por !p2, p0  }
0x20: {  	[sflag:s8] =	ssyncset.s32 @!p0 $0xFFFFF086;
	s6 =	sadd.s32 @!p0 s3, s7;
	s7 =	simm.s32 @!p0 $0x108  }
0x21: {  	s3 =	sadd.s32 s3, s9;
	s6 =	sadd.s32 @!p0 $0x88, s6;
	s7 =	simm.s32 @p2 $0x1082  }
0x22: {  	[simem:s7], [sflag:s8] =	dma.local @!p0 [hbm:s6], $0xF7A  }
0x23: {  	s9 =	sor.u32 $0xD0000000, s2;
	s6 =	simm.s32 $0x108;
	_ =	swait.ge @!p0 [sflag:s8], $0x0  }
0x24: {  	s3 =	sadd.s32 $0x88, s3;
	s6 =	simm.s32 @!p1 $0x1082;
	[sflag:s4] =	ssyncset.s32 $0xFFFFF086  }
0x25: {  	[simem:s6], [sflag:s4] =	dma.local [hbm:s3], $0xF7A  }
0x26: {  	[smem:$0x3F97] =	sst s1;
	(tag) =	ssettag s2;
	_ =	strace s9  }
0x27: {  	s1 =	sld [smem:$0x3FA7]  }
0x28: {  	s2 =	sld [smem:$0x3FA8]  }
0x29: {  	s4 =	sld [smem:$0x3FAA]  }
0x2a: {  	p0 =	seq.s32 s5, $0x0;
	s5 =	sld [smem:$0x3FAB]  }
0x2b: {  	s6 =	sld [smem:$0x3FAC]  }
0x2c: {  	s7 =	sld [smem:$0x3FAD]  }
0x2d: {  	s3 =	simm.s32 $0x108;
	s8 =	sld [smem:$0x3FAE]  }
0x2e: {  	s3 =	simm.s32 @!p0 $0x1082;
	s9 =	sld [smem:$0x3FAF]  }
0x2f: {  	lr =	sadd.s32 s0, s3;
	s0 =	sld [smem:$0x3FA6]  }
0x30: {  	s3 =	sld [smem:$0x3FA9]  }
0x31: {  	[smem:$0x3FB2] =	sst s10  }
0x32: {  	s10 =	sld [smem:$0x3FB0];
	_ =	sdelay $0x3  }
0x33: {  	p0 =	seq.s32 s10, $0x1;
	s10 =	sld [smem:$0x3FB2];
	_ =	sdelay $0x3  }
0x34: {  	[smem:$0x3FB2] =	sst s10  }
0x35: {  	s10 =	sld [smem:$0x3FB1];
	_ =	sdelay $0x3  }
0x36: {  	p1 =	seq.s32 s10, $0x1;
	s10 =	sld [smem:$0x3FB2];
	_ =	sdelay $0x3  }
0x37: {  	[smem:$0x3FB2] =	sst s10  }
0x38: {  	s10 =	sld [smem:$0x3FB3]  }
0x39: {  	_ = 	snop;
	(pc) =	sbr.ind lr, $3  }
0x3a: {  	_ = 	snop  }
0x3b: {  	_ = 	snop  }
0x3c: {  	p2 =	seq.s32 s10, $0x1;
	s10 =	sld [smem:$0x3FB2]  }
0x3d: {  	_ =	shalt  }
0x3e: {  	_ =	shalt  }
0x3f: {  	_ =	shalt  }
0x40: {  	_ =	shalt  }
0x41: {  	_ =	shalt  }
0x42: {  	_ =	shalt  }
0x43: {  	_ =	shalt  }
0x44: {  	_ =	shalt  }
0x45: {  	_ =	shalt  }
0x46: {  	_ =	shalt  }
0x47: {  	_ =	shalt  }
0x48: {  	_ =	shalt  }
0x49: {  	_ =	shalt  }
0x4a: {  	_ =	shalt  }
0x4b: {  	_ =	shalt  }
0x4c: {  	_ =	shalt  }
0x4d: {  	_ =	shalt  }
0x4e: {  	_ =	shalt  }
0x4f: {  	_ =	shalt  }
0x50: {  	_ =	shalt  }
0x51: {  	_ =	shalt  }
0x52: {  	_ =	shalt  }
0x53: {  	_ =	shalt  }
0x54: {  	_ =	shalt  }
0x55: {  	_ =	shalt  }
0x56: {  	_ =	shalt  }
0x57: {  	_ =	shalt  }
0x58: {  	_ =	shalt  }
0x59: {  	_ =	shalt  }
0x5a: {  	_ =	shalt  }
0x5b: {  	_ =	shalt  }
0x5c: {  	_ =	shalt  }
0x5d: {  	_ =	shalt  }
0x5e: {  	_ =	shalt  }
0x5f: {  	_ =	shalt  }
0x60: {  	_ =	shalt  }
0x61: {  	_ =	shalt  }
0x62: {  	_ =	shalt  }
0x63: {  	_ =	shalt  }
0x64: {  	_ =	shalt  }
0x65: {  	_ =	shalt  }
0x66: {  	_ =	shalt  }
0x67: {  	_ =	shalt  }
0x68: {  	_ =	shalt  }
0x69: {  	_ =	shalt  }
0x6a: {  	_ =	shalt  }
0x6b: {  	_ =	shalt  }
0x6c: {  	_ =	shalt  }
0x6d: {  	_ =	shalt  }
0x6e: {  	_ =	shalt  }
0x6f: {  	_ =	shalt  }
0x70: {  	_ =	shalt  }
0x71: {  	_ =	shalt  }
0x72: {  	_ =	shalt  }
0x73: {  	_ =	shalt  }
0x74: {  	_ =	shalt  }
0x75: {  	_ =	shalt  }
0x76: {  	_ =	shalt  }
0x77: {  	_ =	shalt  }
0x78: {  	_ =	shalt  }
0x79: {  	_ =	shalt  }
0x7a: {  	_ =	shalt  }
0x7b: {  	_ =	shalt  }
0x7c: {  	_ =	shalt  }
0x7d: {  	_ =	shalt  }
0x7e: {  	_ =	shalt  }
0x7f: {  	_ =	shalt  }
0x80: {  	_ =	shalt  }
0x81: {  	_ =	shalt  }
0x82: {  	_ =	shalt  }
0x83: {  	_ =	shalt  }
0x84: {  	_ =	shalt  }
0x85: {  	_ =	shalt  }
0x86: {  	_ =	shalt  }
0x87: {  	_ =	shalt  }
.Lfunc_end0:
.L_simem_size_0:
called_computation_lowered:
.L_overlay_start_0:
0x88: {  	s2 =	sld [smem:$0x3FD9]  }
0x89: {  	s3 =	sld [smem:$0x3FFE];
	_ =	sdelay $0x1  }
0x8a: {  	s1 =	srdreg.scid  }
0x8b: {  	s0 =	sand.u32 $0x1, s1  }
0x8c: {  	s16 =	sshll.u32 s0, $0xA;
	s2 =	sadd.s32 s3, s2  }
0x8d: {  	s2 =	sadd.s32 s2, s16  }
0x8e: {  	[smem:$0x3FBE] =	sst s2  }
0x8f: {  	_ = 	snop  }
0x90: {  	(tm) =	ssettm $0x1  }
0x91: {  	s17 =	sld [smem:$0x3FFB];
	_ =	sdelay $0x3  }
0x92: {  	_ =	strace s17  }
0x93: {  	s2 =	sld [smem:$0x3FFC];
	_ =	sdelay $0x3  }
0x94: {  	_ =	strace s2  }
0x95: {  	s2 =	sld [smem:$0x3FFD];
	_ =	sdelay $0x3  }
0x96: {  	_ =	strace s2  }
0x97: {  	_ =	strace $0x8FFFFFFF  }
0x98: {  	s18 =	sld [smem:$0x3FDB];
	_ =	sdelay $0x1  }
0x99: {  	s19 =	simm.s32 $_scs_section_size  }
0x9a: {  	s4 =	simm.s32 $_size__tile_overlayer_lowered;
	s5 =	simm.s32 $_tile_overlayer_lowered  }
0x9b: {  	s22 =	simm.s32 $0x1BFF;
	s21 =	sshll.u32 s5, $0x1;
	s2 =	sadd.s32 s19, s18  }
0x9c: {  	s6 =	simm.s32 $0x0;
	s20 =	sshll.u32 s4, $0x1;
	s4 =	sadd.s32 s21, s2  }
0x9d: {  	[timem:s6], [sflag:s22] =	dma.local [hbm:s4], s20  }
0x9e: {  	_ =	swait.ge [sflag:s22], s20  }
0x9f: {  	s3 =	ssub.s32 $0x0, s20;
	[sflag:s22] =	ssyncset.done $0x0  }
0xa0: {  	[sflag:s22] =	ssyncadd.s32 s3;
	_ =	sdelay $0x1  }
0xa1: {  	s23 =	simm.s32 $0x1B8B  }
0xa2: {  	_ =	swait.ge [sflag:s23], $0x1  }
0xa3: {  	[sflag:s23] =	ssyncset.done $0x0  }
0xa4: {  	s25 =	simm.s32 $0x1B8E;
	s24 =	sld [smem:$0x3FFE];
	[sflag:s23] =	ssyncadd.s32 $0xFFFFFFFF  }
0xa5: {  	s26 =	simm.s32 $execute0_lowered;
	[smem:$0x3FD2] =	sst s25  }
0xa6: {  	s4 =	sshll.u32 s26, $0x1;
	_ =	strace $0x80000046;
	[dreg:$0x1] =	wrdreg $0xFFFFFFFF  }
0xa7: {  	s28 =	simm.s32 $_size_execute0_lowered;
	s2 =	sadd.s32 s2, s4;
	[dreg:$0x0] =	wrdreg $0x0  }
0xa8: {  	s4 =	sshll.u32 s28, $0x1;
	[dreg:$0x2] =	wrdreg s2  }
0xa9: {  	[dreg:$0x3] =	wrdreg s4  }
0xaa: {  	[dreg:$0x4] =	wrdreg $0xC0  }
0xab: {  	_ =	task [dreg:s6], $0x5FFFF  }
0xac: {  	[dreg:$0x1] =	wrdreg $0xFFFFFFFF  }
0xad: {  	[dreg:$0x0] =	wrdreg $0x60  }
0xae: {  	[dreg:$0x2] =	wrdreg s24  }
0xaf: {  	[dreg:$0x3] =	wrdreg $0xBEC00  }
0xb0: {  	[dreg:$0x4] =	wrdreg $0x9  }
0xb1: {  	_ =	task.clear_ibuf [dreg:s6], $0x5FFFF;
	_ =	strace $0x90000046  }
0xb2: {  	s29 =	simm.s32 $0x9;
	_ =	strace $0x80000048  }
0xb3: {  	_ =	swait.ge [sflag:s29], $0x1  }
0xb4: {  	[sflag:s29] =	ssyncadd.s32 $0xFFFFFFFF  }
0xb5: {  	_ =	strace $0x90000048  }
0xb6: {  	_ =	sfence  }
0xb7: {  	s30 =	sld [smem:$0x0];
	_ =	sdelay $0x2  }
0xb8: {  	s31 =	sshll.u32 s1, $0xD;
	s1 =	sshrl.u32 s1, $0x2  }
0xb9: {  	s3 =	sand.u32 $0x4000, s31;
	s1 =	sadd.s32 s1, s30  }
0xba: {  	s0 =	sor.u32 s3, s0;
	s1 =	sshll.u32 s1, $0x11  }
0xbb: {  	s0 =	sor.u32 s1, s0  }
0xbc: {  	s0 =	sadd.s32 $0x8F2B, s0  }
0xbd: {  	[sflag:s0] =	ssyncadd.remote.s32 $0x1  }
0xbe: {  	_ =	sfence.sel $0xFFFF  }
0xbf: {  	[dreg:$0x0] =	wrdreg $0xFFFFFFFF;
	(pc) =	sbr.abs _section_cstart, $3  }
0xc0: {  	[dreg:$0x1] =	wrdreg $0xFFFFFFFF  }
0xc1: {  	_ =	task.clear_ibuf [dreg:s6], $0x2FFFF;
	_ =	strace $0x9FFFFFFF  }
0xc2: {  	(tm) =	ssettm $0x7FFFFFFF  }
0xc3: {  	_ =	shalt  }
tec
execute0_lowered:
.L_overlay_start_1:
0x0: {  	(tag) =	ssettag $0x1  }
0x1: {  	s6 =	rddreg [dreg:$0x0]  }
0x2: {  	s0 =	srdreg.scid;
	s2 =	rddreg [dreg:$0x1]  }
0x3: {  	s1 =	rddreg [dreg:$0x2];
	s3 =	simm.s32 $0x0;
	s14 =	simm.s32 $0x70  }
0x4: {  	s15 =	simm.s32 $0x4EC0;
	s16 =	simm.s32 $0x86C0;
	s5 =	sand.u32 $0x1, s0  }
0x5: {  	s17 =	simm.s32 $0x1;
	s0 =	stileid.u32;
	s7 =	smul.u32 $0x27600, s5  }
0x6: {  	s18 =	simm.s32 $0x2;
	s19 =	simm.s32 $0x4DE0;
	s8 =	smul.u32 $0x2760, s0  }
0x7: {  	s20 =	simm.s32 $0x4E50;
	s21 =	simm.s32 $0x0;
	s9 =	smul.u32 $0x13C00, s0  }
0x8: {  	[smem:$0x7FF] =	sst s3;
	s4 =	sadd.s32 $0x16600, s6;
	s10 =	smul.u32 $0x13C000, s5  }
0x9: {  	_ =	strace $0x80000047;
	s31 =	ssub.s32 $0x2, s5;
	s12 =	sshll.u32 s0, $0x6  }
0xa: {  	s5 =	sadd.s32 $0x3D800, s6;
	s11 =	sshrl.u32 s31, $0x1;
	s12 =	sor.u32 $0x1C03, s12  }
0xb: {  	s7 =	sadd.s32 s8, s7;
	s30 =	sadd.s32 s9, s10;
	s10 =	ssub.s32 s31, s11  }
0xc: {  	s13 =	sadd.s32 s9, s2;
	s11 =	simm.s32 $0x2760;
	s7 =	sshrl.u32 s7, $0x3  }
0xd: {  	s8 =	sshrl.u32 s30, $0x3;
	s9 =	smax.u32 s10, $0x1;
	s10 =	simm.s32 $0x3  }
0xe: {  	s13 =	sshrl.u32 s13, $0x3;
	s7 =	sadd.s32 s7, s6;
	s8 =	sadd.s32 s8, s6  }
0xf: {  	s6 =	sadd.s32 $0xC800, s7;
	s7 =	sadd.s32 $0x2A00, s7;
	s8 =	sadd.s32 $0x40000, s8  }
.LBB2_1:
0x10: {  	[tilespmem:s3], [sflag:$0x3] =	stream.linear.gather [hbm4b:s6+s3], $0x2760, $0x38;
	[tilespmem:$0x1FAC0] =	vst v63  }
0x11: {  	_ =	swait.ge [sflag:s10], $0x2760  }
0x12: {  	[sflag:s10] =	ssyncset.done $0x0  }
0x13: {  	[sflag:s10] =	ssyncadd.s32 $0xFFFFD8A0  }
0x14: {  	[tilespmem:s11], [sflag:$0x3] =	stream.linear.gather [hbm4b:s7+s3], $0x2760, $0x38;
	[tilespmem:$0x1FAC0] =	vst v63  }
0x15: {  	_ =	swait.ge [sflag:s10], $0x2760  }
0x16: {  	[sflag:s10] =	ssyncset.done $0x0  }
0x17: {  	[sflag:s10] =	ssyncadd.s32 $0xFFFFD8A0  }
0x18: {  	[spmem:s13], [sflag:s12] =	dma.local [hbm:s5], $0x2780  }
0x19: {  	_ =	swait.ge [sflag:s10], $0x2780  }
0x1a: {  	[sflag:s10] =	ssyncset.done $0x0  }
0x1b: {  	[sflag:s10] =	ssyncadd.s32 $0xFFFFD880  }
0x1c: {  	[bflag:$0x0] =	sbarrier.arrive $0xFFFF  }
0x1d: {  	[tilespmem:s15], [sflag:$0x1] =	stream.indirect.gather [hbm4b:s4+s14], $0x80, s3, s14, $0xb8;
	[tilespmem:$0x1FAC0] =	vst v63  }
0x1e: {  	_ = 	snop  }
0x1f: {  	[tilespmem:s16], [sflag:$0x2] =	stream.indirect.gather [hbm4b:s4+s14], $0x80, s14, s14, $0xb8;
	[tilespmem:$0x1FAC0] =	vst v63  }
0x20: {  	_ =	swait.ge [sflag:s17], $0x3800  }
0x21: {  	[sflag:s17] =	ssyncset.done $0x0  }
0x22: {  	s22 =	simm.s32 $0x2760;
	[sflag:s17] =	ssyncadd.s32 $0xFFFFC800  }
0x23: {  	[spmem:s2] =	stream.indirect.scatter.add.f32 [tilespmem:s15], [sflag:$0x3], $0x80, s22, s14, $0xb8;
	[tilespmem:$0x1FAC0] =	vst v63  }
0x24: {  	_ =	swait.ge [sflag:s10], $0x3800  }
0x25: {  	[sflag:s10] =	ssyncset.done $0x0  }
0x26: {  	s30 =	simm.s32 $0xE0;
	[sflag:s10] =	ssyncadd.s32 $0xFFFFC800  }
0x27: {  	[tilespmem:s15], [sflag:$0x1] =	stream.indirect.gather [hbm4b:s4+s14], $0x80, s30, s14, $0xb8;
	[tilespmem:$0x1FAC0] =	vst v63  }
0x28: {  	_ =	swait.ge [sflag:s18], $0x3800  }
0x29: {  	[sflag:s18] =	ssyncset.done $0x0  }
0x2a: {  	s31 =	simm.s32 $0x27D0;
	[sflag:s18] =	ssyncadd.s32 $0xFFFFC800  }
0x2b: {  	[spmem:s2] =	stream.indirect.scatter.add.f32 [tilespmem:s16], [sflag:$0x3], $0x80, s31, s14, $0xb8;
	[tilespmem:$0x1FAC0] =	vst v63  }
0x2c: {  	_ =	swait.ge [sflag:s10], $0x3800  }
0x2d: {  	[sflag:s10] =	ssyncset.done $0x0  }
0x2e: {  	s23 =	simm.s32 $0x150;
	s22 =	simm.s32 $0x380;
	[sflag:s10] =	ssyncadd.s32 $0xFFFFC800  }
.LBB2_2:
0x2f: {  	[tilespmem:s16], [sflag:$0x2] =	stream.indirect.gather [hbm4b:s4+s14], $0x80, s23, s14, $0xb8;
	[tilespmem:$0x1FAC0] =	vst v63  }
0x30: {  	s23 =	smov.u32 s22  }
0x31: {  	p0 =	sne.s32 s22, $0x9680;
	s22 =	sadd.s32 $0x380, s22;
	_ =	swait.ge [sflag:s17], $0x3800  }
0x32: {  	s23 =	sshra.s32 s23, $0x2;
	[sflag:s17] =	ssyncset.done $0x0  }
0x33: {  	s24 =	sadd.s32 $0x2760, s23;
	[sflag:s17] =	ssyncadd.s32 $0xFFFFC800  }
0x34: {  	[spmem:s2] =	stream.indirect.scatter.add.f32 [tilespmem:s15], [sflag:$0x3], $0x80, s24, s14, $0xb8;
	[tilespmem:$0x1FAC0] =	vst v63  }
0x35: {  	_ =	swait.ge [sflag:s10], $0x3800  }
0x36: {  	[sflag:s10] =	ssyncset.done $0x0  }
0x37: {  	s24 =	sadd.s32 $0xE0, s23;
	[sflag:s10] =	ssyncadd.s32 $0xFFFFC800  }
0x38: {  	[tilespmem:s15], [sflag:$0x1] =	stream.indirect.gather [hbm4b:s4+s14], $0x80, s24, s14, $0xb8;
	[tilespmem:$0x1FAC0] =	vst v63  }
0x39: {  	_ =	swait.ge [sflag:s18], $0x3800  }
0x3a: {  	[sflag:s18] =	ssyncset.done $0x0  }
.Ltmp0:
0x3b: {  	s24 =	sadd.s32 $0x27D0, s23;
	[sflag:s18] =	ssyncadd.s32 $0xFFFFC800;
	(pc) =	sbr.rel @p0 .LBB2_2-.Ltmp0, $4  }
0x3c: {  	[spmem:s2] =	stream.indirect.scatter.add.f32 [tilespmem:s16], [sflag:$0x3], $0x80, s24, s14, $0xb8;
	[tilespmem:$0x1FAC0] =	vst v63  }
0x3d: {  	_ =	swait.ge [sflag:s10], $0x3800  }
0x3e: {  	[sflag:s10] =	ssyncset.done $0x0  }
0x3f: {  	s23 =	sadd.s32 $0x150, s23;
	[sflag:s10] =	ssyncadd.s32 $0xFFFFC800  }
0x40: {  	[tilespmem:s16], [sflag:$0x2] =	stream.indirect.gather [hbm4b:s4+s14], $0x80, s23, s14, $0xb8;
	[tilespmem:$0x1FAC0] =	vst v63  }
0x41: {  	_ =	swait.ge [sflag:s17], $0x3800  }
0x42: {  	[sflag:s17] =	ssyncset.done $0x0  }
0x43: {  	[sflag:s17] =	ssyncadd.s32 $0xFFFFC800  }
0x44: {  	[spmem:s2] =	stream.indirect.scatter.add.f32 [tilespmem:s15], [sflag:$0x3], $0x80, s19, s14, $0xb8;
	[tilespmem:$0x1FAC0] =	vst v63  }
0x45: {  	_ =	swait.ge [sflag:s10], $0x3800  }
0x46: {  	[sflag:s10] =	ssyncset.done $0x0  }
0x47: {  	[sflag:s10] =	ssyncadd.s32 $0xFFFFC800  }
0x48: {  	_ =	swait.ge [sflag:s18], $0x3800  }
0x49: {  	[sflag:s18] =	ssyncset.done $0x0  }
0x4a: {  	[sflag:s18] =	ssyncadd.s32 $0xFFFFC800  }
0x4b: {  	[spmem:s2] =	stream.indirect.scatter.add.f32 [tilespmem:s16], [sflag:$0x3], $0x80, s20, s14, $0xb8;
	[tilespmem:$0x1FAC0] =	vst v63  }
0x4c: {  	_ =	swait.ge [sflag:s10], $0x3800  }
0x4d: {  	s21 =	sadd.s32 $0x1, s21;
	[sflag:s10] =	ssyncset.done $0x0  }
0x4e: {  	p0 =	sne.s32 s21, s9;
	[sflag:s10] =	ssyncadd.s32 $0xFFFFC800  }
.Ltmp1:
0x4f: {  	[bflag:$0x0] =	sbarrier.arrive $0xFFFF;
	(pc) =	sbr.rel @p0 .LBB2_1-.Ltmp1, $4  }
0x50: {  	[hbm:s8], [sflag:s12] =	dma.local [spmem:s13], $0x2780  }
0x51: {  	_ =	swait.ge [sflag:s10], $0x2780  }
0x52: {  	[sflag:s10] =	ssyncset.done $0x0  }
0x53: {  	[sflag:s10] =	ssyncadd.s32 $0xFFFFD880  }
0x54: {  	_ =	sfence.sel $0x180000  }
0x55: {  	[bflag:$0x0] =	sbarrier.arrive $0xFFFF  }
0x56: {  	p0 =	sne.s32 s0, $0x0;
	_ =	strace $0x90000047  }
0x57: {  	s0 =	sadd.s32 @!p0 $0x100000, s1;
	[bflag:$0x2] =	sbarrier.arrive $0xFFFF  }
0x58: {  	[sflag:s0] =	ssyncadd.tile.s32 @!p0 $0x1;
	_ =	shalt  }
.Lfunc_end2:
_tile_overlayer_lowered:
.L_overlay_start_2:
0x59: {  	(tag) =	ssettag $0x2  }
0x5a: {  	s0 =	rddreg [dreg:$0x0];
	s2 =	stileid.u32  }
0x5b: {  	s1 =	rddreg [dreg:$0x1];
	p0 =	sne.s32 s2, $0x0  }
0x5c: {  	s3 =	rddreg [dreg:$0x2];
	[bflag:$0x3] =	sbarrier.arrive $0xFFFF;
	s2 =	simm.s32 @!p0 $0x1C03  }
0x5d: {  	[timem:s3], [sflag:s2] =	dma.local @!p0 [hbm:s0], s1  }
0x5e: {  	s0 =	simm.s32 @!p0 $0x3  }
0x5f: {  	_ =	swait.ge @!p0 [sflag:s0], s1  }
0x60: {  	s1 =	ssub.s32 @!p0 $0x0, s1;
	[sflag:s0] =	ssyncset.done @!p0 $0x0  }
0x61: {  	[sflag:s0] =	ssyncadd.s32 @!p0 s1  }
0x62: {  	[bflag:$0x3] =	sbarrier.arrive $0xFFFF  }
0x63: {  	_ =	shalt  }

</sc_bundles>
